<compile_context>
chip_gen: v7x
topology: tpu7x:2x2x1
jax: 0.10.2.dev20260603
libtpu: 0.0.44.dev20260713+nightly
codegen_flags: <defaults>
</compile_context>

<pallas_src>
import functools

import jax
import jax.numpy as jnp
from jax import lax
from jax.experimental import pallas as pl
from jax.experimental.pallas import tpu as pltpu
from jax.experimental.pallas import tpu_sc as plsc

_ROWS = 16384
_COLS = 128

_info = plsc.get_sparse_core_info()
_NC, _NS, _L = _info.num_cores, _info.num_subcores, _info.num_lanes
_NW = _NC * _NS
_RW = _ROWS // _NW
_WSZ = _RW * _COLS
_NGRP = _COLS // _L

_CH = 64
_CW = _CH * _COLS
_NCH = _RW // _CH

_mesh = plsc.VectorSubcoreMesh(core_axis_name="c", subcore_axis_name="s")


@functools.partial(
    pl.kernel,
    mesh=_mesh,
    out_type=jax.ShapeDtypeStruct((_ROWS * _COLS,), jnp.float32),
    scratch_types=[pltpu.VMEM((_CW,), jnp.float32)] * _NCH + [
        pltpu.VMEM((_COLS,), jnp.int32),
    ] + [pltpu.SemaphoreType.DMA] * (2 * _NCH + 1),
    compiler_params=pltpu.CompilerParams(
        needs_layout_passes=False,
        skip_device_barrier=True,
    ),
)
def _rearrange(x_hbm, order_hbm, out_hbm, *rest):
    inb = rest[:_NCH]
    idx_v = rest[_NCH]
    sems = rest[_NCH + 1:]
    wid = lax.axis_index("s") * _NC + lax.axis_index("c")
    base = wid * _WSZ
    isem, osem, qsem = sems[:_NCH], sems[_NCH:2 * _NCH], sems[2 * _NCH]

    def in_copy(c):
        return pltpu.make_async_copy(
            x_hbm.at[pl.ds(base + c * _CW, _CW)], inb[c], isem[c])

    def out_copy(c):
        return pltpu.make_async_copy(
            inb[c], out_hbm.at[pl.ds(base + c * _CW, _CW)], osem[c])

    for c in range(_NCH):
        in_copy(c).start()
    order_copy = pltpu.make_async_copy(order_hbm, idx_v, qsem)
    order_copy.start()
    order_copy.wait()
    gidx = [idx_v[pl.ds(_L * k, _L)] for k in range(_NGRP)]

    for c in range(_NCH):
        in_copy(c).wait()
        buf = inb[c]

        @plsc.parallel_loop(0, _CH, unroll=4)
        def _row(r):
            off = r * _COLS
            vals = [plsc.load_gather(buf, [off + gidx[k]])
                    for k in range(_NGRP)]
            for k in range(_NGRP):
                buf[pl.ds(off + _L * k, _L)] = vals[k]

        out_copy(c).start()

    for c in range(_NCH):
        out_copy(c).wait()


def kernel(x, order):
    out_flat = _rearrange(x.reshape(-1), order)
    return out_flat.reshape(_ROWS, _COLS)

# --- scband reference (transcript-rebuilt; emitter-appended) ---
"""Pipeline reference for scband-rearrange-layer-36447092474207 (READ-ONLY COPY).

The authoritative reference and input builder live on the scoring server;
editing this copy changes nothing except your own understanding.
"""

import jax, jax.numpy as jnp
import numpy as np


def setup_inputs(seed: int = 0) -> dict:
    key = jax.random.key(seed)
    x = jax.random.normal(key, (16384, 128), dtype=jnp.float32)
    # init_kwargs: order = reversed permutation of the 128 output slots
    order = jnp.arange(127, -1, -1, dtype=jnp.int32)
    return {"x": x, "order": order}


def reference(x, order):
    # torch.index_select(x, 1, order) == gather columns of x in the given order
    return jnp.take(x, order, axis=1)

if __name__ == "__main__":
    import jax
    _d = setup_inputs()
    print(jax.jit(kernel)(*tuple(_d.values())))

</pallas_src>

<mosaic_0001>
#map = affine_map<(d0, d1) -> (0)>
module attributes {stable_mosaic.version = 14 : i64} {
  func.func @_rearrange(%arg0: i32, %arg1: i32, %arg2: memref<2097152xf32, #tpu.memory_space<hbm>>, %arg3: memref<128xi32, #tpu.memory_space<hbm>>, %arg4: memref<2097152xf32, #tpu.memory_space<hbm>>, %arg5: memref<8192xf32, #tpu.memory_space<vmem>>, %arg6: memref<8192xf32, #tpu.memory_space<vmem>>, %arg7: memref<8192xf32, #tpu.memory_space<vmem>>, %arg8: memref<8192xf32, #tpu.memory_space<vmem>>, %arg9: memref<8192xf32, #tpu.memory_space<vmem>>, %arg10: memref<8192xf32, #tpu.memory_space<vmem>>, %arg11: memref<8192xf32, #tpu.memory_space<vmem>>, %arg12: memref<8192xf32, #tpu.memory_space<vmem>>, %arg13: memref<128xi32, #tpu.memory_space<vmem>>, %arg14: memref<!tpu.dma_semaphore, #tpu.memory_space<semaphore_mem>>, %arg15: memref<!tpu.dma_semaphore, #tpu.memory_space<semaphore_mem>>, %arg16: memref<!tpu.dma_semaphore, #tpu.memory_space<semaphore_mem>>, %arg17: memref<!tpu.dma_semaphore, #tpu.memory_space<semaphore_mem>>, %arg18: memref<!tpu.dma_semaphore, #tpu.memory_space<semaphore_mem>>, %arg19: memref<!tpu.dma_semaphore, #tpu.memory_space<semaphore_mem>>, %arg20: memref<!tpu.dma_semaphore, #tpu.memory_space<semaphore_mem>>, %arg21: memref<!tpu.dma_semaphore, #tpu.memory_space<semaphore_mem>>, %arg22: memref<!tpu.dma_semaphore, #tpu.memory_space<semaphore_mem>>, %arg23: memref<!tpu.dma_semaphore, #tpu.memory_space<semaphore_mem>>, %arg24: memref<!tpu.dma_semaphore, #tpu.memory_space<semaphore_mem>>, %arg25: memref<!tpu.dma_semaphore, #tpu.memory_space<semaphore_mem>>, %arg26: memref<!tpu.dma_semaphore, #tpu.memory_space<semaphore_mem>>, %arg27: memref<!tpu.dma_semaphore, #tpu.memory_space<semaphore_mem>>, %arg28: memref<!tpu.dma_semaphore, #tpu.memory_space<semaphore_mem>>, %arg29: memref<!tpu.dma_semaphore, #tpu.memory_space<semaphore_mem>>, %arg30: memref<!tpu.dma_semaphore, #tpu.memory_space<semaphore_mem>>) attributes {dimension_semantics = [#tpu.dimension_semantics<core_parallel>, #tpu.dimension_semantics<subcore_parallel>], iteration_bounds = array<i64: 2, 16>, scalar_prefetch = 0 : i64, scratch_operands = 26 : i64, tpu.core_type = #tpu.core_type<sc_vector_subcore>, window_params = [{transform_indices = #map}, {transform_indices = #map}, {transform_indices = #map}]} {
    %mul3A = arith.constant 2 : i32
    %mul3A_0 = arith.muli %arg1, %mul3A : i32
    %add3A = arith.addi %mul3A_0, %arg0 : i32
    %mul3A_1 = arith.constant 65536 : i32
    %mul3A_2 = arith.muli %add3A, %mul3A_1 : i32
    %add3A_3 = arith.constant 0 : i32
    %add3A_4 = arith.addi %mul3A_2, %add3A_3 : i32
    %dma_start3A = tpu.memref_slice %arg2[%add3A_4] : memref<2097152xf32, #tpu.memory_space<hbm>> -> memref<8192xf32, #tpu.memory_space<hbm>>
    %dma_start3A_5 = tpu.memref_slice %arg2[%add3A_4] : memref<2097152xf32, #tpu.memory_space<hbm>> -> memref<8192xf32, #tpu.memory_space<hbm>>
    tpu.enqueue_dma source(%dma_start3A_5 : memref<8192xf32, #tpu.memory_space<hbm>>) target(%arg5 : memref<8192xf32, #tpu.memory_space<vmem>>) target_semaphore(%arg14 : memref<!tpu.dma_semaphore, #tpu.memory_space<semaphore_mem>>)
    %add3A_6 = arith.constant 8192 : i32
    %add3A_7 = arith.addi %mul3A_2, %add3A_6 : i32
    %dma_start3A_8 = tpu.memref_slice %arg2[%add3A_7] : memref<2097152xf32, #tpu.memory_space<hbm>> -> memref<8192xf32, #tpu.memory_space<hbm>>
    %dma_start3A_9 = tpu.memref_slice %arg2[%add3A_7] : memref<2097152xf32, #tpu.memory_space<hbm>> -> memref<8192xf32, #tpu.memory_space<hbm>>
    tpu.enqueue_dma source(%dma_start3A_9 : memref<8192xf32, #tpu.memory_space<hbm>>) target(%arg6 : memref<8192xf32, #tpu.memory_space<vmem>>) target_semaphore(%arg15 : memref<!tpu.dma_semaphore, #tpu.memory_space<semaphore_mem>>)
    %add3A_10 = arith.constant 16384 : i32
    %add3A_11 = arith.addi %mul3A_2, %add3A_10 : i32
    %dma_start3A_12 = tpu.memref_slice %arg2[%add3A_11] : memref<2097152xf32, #tpu.memory_space<hbm>> -> memref<8192xf32, #tpu.memory_space<hbm>>
    %dma_start3A_13 = tpu.memref_slice %arg2[%add3A_11] : memref<2097152xf32, #tpu.memory_space<hbm>> -> memref<8192xf32, #tpu.memory_space<hbm>>
    tpu.enqueue_dma source(%dma_start3A_13 : memref<8192xf32, #tpu.memory_space<hbm>>) target(%arg7 : memref<8192xf32, #tpu.memory_space<vmem>>) target_semaphore(%arg16 : memref<!tpu.dma_semaphore, #tpu.memory_space<semaphore_mem>>)
    %add3A_14 = arith.constant 24576 : i32
    %add3A_15 = arith.addi %mul3A_2, %add3A_14 : i32
    %dma_start3A_16 = tpu.memref_slice %arg2[%add3A_15] : memref<2097152xf32, #tpu.memory_space<hbm>> -> memref<8192xf32, #tpu.memory_space<hbm>>
    %dma_start3A_17 = tpu.memref_slice %arg2[%add3A_15] : memref<2097152xf32, #tpu.memory_space<hbm>> -> memref<8192xf32, #tpu.memory_space<hbm>>
    tpu.enqueue_dma source(%dma_start3A_17 : memref<8192xf32, #tpu.memory_space<hbm>>) target(%arg8 : memref<8192xf32, #tpu.memory_space<vmem>>) target_semaphore(%arg17 : memref<!tpu.dma_semaphore, #tpu.memory_space<semaphore_mem>>)
    %add3A_18 = arith.constant 32768 : i32
    %add3A_19 = arith.addi %mul3A_2, %add3A_18 : i32
    %dma_start3A_20 = tpu.memref_slice %arg2[%add3A_19] : memref<2097152xf32, #tpu.memory_space<hbm>> -> memref<8192xf32, #tpu.memory_space<hbm>>
    %dma_start3A_21 = tpu.memref_slice %arg2[%add3A_19] : memref<2097152xf32, #tpu.memory_space<hbm>> -> memref<8192xf32, #tpu.memory_space<hbm>>
    tpu.enqueue_dma source(%dma_start3A_21 : memref<8192xf32, #tpu.memory_space<hbm>>) target(%arg9 : memref<8192xf32, #tpu.memory_space<vmem>>) target_semaphore(%arg18 : memref<!tpu.dma_semaphore, #tpu.memory_space<semaphore_mem>>)
    %add3A_22 = arith.constant 40960 : i32
    %add3A_23 = arith.addi %mul3A_2, %add3A_22 : i32
    %dma_start3A_24 = tpu.memref_slice %arg2[%add3A_23] : memref<2097152xf32, #tpu.memory_space<hbm>> -> memref<8192xf32, #tpu.memory_space<hbm>>
    %dma_start3A_25 = tpu.memref_slice %arg2[%add3A_23] : memref<2097152xf32, #tpu.memory_space<hbm>> -> memref<8192xf32, #tpu.memory_space<hbm>>
    tpu.enqueue_dma source(%dma_start3A_25 : memref<8192xf32, #tpu.memory_space<hbm>>) target(%arg10 : memref<8192xf32, #tpu.memory_space<vmem>>) target_semaphore(%arg19 : memref<!tpu.dma_semaphore, #tpu.memory_space<semaphore_mem>>)
    %add3A_26 = arith.constant 49152 : i32
    %add3A_27 = arith.addi %mul3A_2, %add3A_26 : i32
    %dma_start3A_28 = tpu.memref_slice %arg2[%add3A_27] : memref<2097152xf32, #tpu.memory_space<hbm>> -> memref<8192xf32, #tpu.memory_space<hbm>>
    %dma_start3A_29 = tpu.memref_slice %arg2[%add3A_27] : memref<2097152xf32, #tpu.memory_space<hbm>> -> memref<8192xf32, #tpu.memory_space<hbm>>
    tpu.enqueue_dma source(%dma_start3A_29 : memref<8192xf32, #tpu.memory_space<hbm>>) target(%arg11 : memref<8192xf32, #tpu.memory_space<vmem>>) target_semaphore(%arg20 : memref<!tpu.dma_semaphore, #tpu.memory_space<semaphore_mem>>)
    %add3A_30 = arith.constant 57344 : i32
    %add3A_31 = arith.addi %mul3A_2, %add3A_30 : i32
    %dma_start3A_32 = tpu.memref_slice %arg2[%add3A_31] : memref<2097152xf32, #tpu.memory_space<hbm>> -> memref<8192xf32, #tpu.memory_space<hbm>>
    %dma_start3A_33 = tpu.memref_slice %arg2[%add3A_31] : memref<2097152xf32, #tpu.memory_space<hbm>> -> memref<8192xf32, #tpu.memory_space<hbm>>
    tpu.enqueue_dma source(%dma_start3A_33 : memref<8192xf32, #tpu.memory_space<hbm>>) target(%arg12 : memref<8192xf32, #tpu.memory_space<vmem>>) target_semaphore(%arg21 : memref<!tpu.dma_semaphore, #tpu.memory_space<semaphore_mem>>)
    tpu.enqueue_dma source(%arg3 : memref<128xi32, #tpu.memory_space<hbm>>) target(%arg13 : memref<128xi32, #tpu.memory_space<vmem>>) target_semaphore(%arg30 : memref<!tpu.dma_semaphore, #tpu.memory_space<semaphore_mem>>)
    tpu.wait_dma2 semaphore(%arg30 : memref<!tpu.dma_semaphore, #tpu.memory_space<semaphore_mem>>) src(%arg3 : memref<128xi32, #tpu.memory_space<hbm>>) dst(%arg13 : memref<128xi32, #tpu.memory_space<vmem>>)
    %get3A = arith.constant 0 : index
    %get3A_34 = tpu.vector_load %arg13[%get3A] {strides = array<i32>} : memref<128xi32, #tpu.memory_space<vmem>>, vector<16xi32>,
    %get3A_35 = arith.constant 16 : index
    %get3A_36 = tpu.vector_load %arg13[%get3A_35] {strides = array<i32>} : memref<128xi32, #tpu.memory_space<vmem>>, vector<16xi32>,
    %get3A_37 = arith.constant 32 : index
    %get3A_38 = tpu.vector_load %arg13[%get3A_37] {strides = array<i32>} : memref<128xi32, #tpu.memory_space<vmem>>, vector<16xi32>,
    %get3A_39 = arith.constant 48 : index
    %get3A_40 = tpu.vector_load %arg13[%get3A_39] {strides = array<i32>} : memref<128xi32, #tpu.memory_space<vmem>>, vector<16xi32>,
    %get3A_41 = arith.constant 64 : index
    %get3A_42 = tpu.vector_load %arg13[%get3A_41] {strides = array<i32>} : memref<128xi32, #tpu.memory_space<vmem>>, vector<16xi32>,
    %get3A_43 = arith.constant 80 : index
    %get3A_44 = tpu.vector_load %arg13[%get3A_43] {strides = array<i32>} : memref<128xi32, #tpu.memory_space<vmem>>, vector<16xi32>,
    %get3A_45 = arith.constant 96 : index
    %get3A_46 = tpu.vector_load %arg13[%get3A_45] {strides = array<i32>} : memref<128xi32, #tpu.memory_space<vmem>>, vector<16xi32>,
    %get3A_47 = arith.constant 112 : index
    %get3A_48 = tpu.vector_load %arg13[%get3A_47] {strides = array<i32>} : memref<128xi32, #tpu.memory_space<vmem>>, vector<16xi32>,
    %add3A_49 = arith.constant 0 : i32
    %add3A_50 = arith.addi %mul3A_2, %add3A_49 : i32
    %dma_wait3A = tpu.memref_slice %arg2[%add3A_50] : memref<2097152xf32, #tpu.memory_space<hbm>> -> memref<8192xf32, #tpu.memory_space<hbm>>
    %dma_wait3A_51 = tpu.memref_slice %arg2[%add3A_50] : memref<2097152xf32, #tpu.memory_space<hbm>> -> memref<8192xf32, #tpu.memory_space<hbm>>
    tpu.wait_dma2 semaphore(%arg14 : memref<!tpu.dma_semaphore, #tpu.memory_space<semaphore_mem>>) src(%dma_wait3A_51 : memref<8192xf32, #tpu.memory_space<hbm>>) dst(%arg5 : memref<8192xf32, #tpu.memory_space<vmem>>)
    %parallel_loop3A = arith.constant 0 : i32
    %parallel_loop3A_52 = arith.constant 64 : i32
    %parallel_loop3A_53 = arith.constant 1 : i32
    scf.for %parallel_loop3A_167 = %parallel_loop3A to %parallel_loop3A_52 step %parallel_loop3A_53  : i32 {
      %parallel_loop3A_168 = arith.constant 128 : i32
      %parallel_loop3A_169 = arith.muli %parallel_loop3A_167, %parallel_loop3A_168 : i32
      %parallel_loop3A_170 = vector.broadcast %parallel_loop3A_169 : i32 to vector<16xi32>
      %parallel_loop3A_171 = arith.addi %parallel_loop3A_170, %get3A_34 : vector<16xi32>
      %parallel_loop3A_172 = tpu.vector_load_idx %arg5[%parallel_loop3A_171] : memref<8192xf32, #tpu.memory_space<vmem>>[vector<16xi32>], vector<16xf32>,
      %parallel_loop3A_173 = vector.broadcast %parallel_loop3A_169 : i32 to vector<16xi32>
      %parallel_loop3A_174 = arith.addi %parallel_loop3A_173, %get3A_36 : vector<16xi32>
      %parallel_loop3A_175 = tpu.vector_load_idx %arg5[%parallel_loop3A_174] : memref<8192xf32, #tpu.memory_space<vmem>>[vector<16xi32>], vector<16xf32>,
      %parallel_loop3A_176 = vector.broadcast %parallel_loop3A_169 : i32 to vector<16xi32>
      %parallel_loop3A_177 = arith.addi %parallel_loop3A_176, %get3A_38 : vector<16xi32>
      %parallel_loop3A_178 = tpu.vector_load_idx %arg5[%parallel_loop3A_177] : memref<8192xf32, #tpu.memory_space<vmem>>[vector<16xi32>], vector<16xf32>,
      %parallel_loop3A_179 = vector.broadcast %parallel_loop3A_169 : i32 to vector<16xi32>
      %parallel_loop3A_180 = arith.addi %parallel_loop3A_179, %get3A_40 : vector<16xi32>
      %parallel_loop3A_181 = tpu.vector_load_idx %arg5[%parallel_loop3A_180] : memref<8192xf32, #tpu.memory_space<vmem>>[vector<16xi32>], vector<16xf32>,
      %parallel_loop3A_182 = vector.broadcast %parallel_loop3A_169 : i32 to vector<16xi32>
      %parallel_loop3A_183 = arith.addi %parallel_loop3A_182, %get3A_42 : vector<16xi32>
      %parallel_loop3A_184 = tpu.vector_load_idx %arg5[%parallel_loop3A_183] : memref<8192xf32, #tpu.memory_space<vmem>>[vector<16xi32>], vector<16xf32>,
      %parallel_loop3A_185 = vector.broadcast %parallel_loop3A_169 : i32 to vector<16xi32>
      %parallel_loop3A_186 = arith.addi %parallel_loop3A_185, %get3A_44 : vector<16xi32>
      %parallel_loop3A_187 = tpu.vector_load_idx %arg5[%parallel_loop3A_186] : memref<8192xf32, #tpu.memory_space<vmem>>[vector<16xi32>], vector<16xf32>,
      %parallel_loop3A_188 = vector.broadcast %parallel_loop3A_169 : i32 to vector<16xi32>
      %parallel_loop3A_189 = arith.addi %parallel_loop3A_188, %get3A_46 : vector<16xi32>
      %parallel_loop3A_190 = tpu.vector_load_idx %arg5[%parallel_loop3A_189] : memref<8192xf32, #tpu.memory_space<vmem>>[vector<16xi32>], vector<16xf32>,
      %parallel_loop3A_191 = vector.broadcast %parallel_loop3A_169 : i32 to vector<16xi32>
      %parallel_loop3A_192 = arith.addi %parallel_loop3A_191, %get3A_48 : vector<16xi32>
      %parallel_loop3A_193 = tpu.vector_load_idx %arg5[%parallel_loop3A_192] : memref<8192xf32, #tpu.memory_space<vmem>>[vector<16xi32>], vector<16xf32>,
      %parallel_loop3A_194 = arith.constant 0 : i32
      %parallel_loop3A_195 = arith.addi %parallel_loop3A_169, %parallel_loop3A_194 : i32
      %parallel_loop3A_196 = arith.index_cast %parallel_loop3A_195 : i32 to index
      %parallel_loop3A_197 = tpu.vector_load %arg5[%parallel_loop3A_196] {strides = array<i32>} : memref<8192xf32, #tpu.memory_space<vmem>>, vector<16xf32>,
      tpu.vector_store %arg5[%parallel_loop3A_196], %parallel_loop3A_172 {strides = array<i32>} : memref<8192xf32, #tpu.memory_space<vmem>>, vector<16xf32>,
      %parallel_loop3A_198 = arith.constant 16 : i32
      %parallel_loop3A_199 = arith.addi %parallel_loop3A_169, %parallel_loop3A_198 : i32
      %parallel_loop3A_200 = arith.index_cast %parallel_loop3A_199 : i32 to index
      %parallel_loop3A_201 = tpu.vector_load %arg5[%parallel_loop3A_200] {strides = array<i32>} : memref<8192xf32, #tpu.memory_space<vmem>>, vector<16xf32>,
      tpu.vector_store %arg5[%parallel_loop3A_200], %parallel_loop3A_175 {strides = array<i32>} : memref<8192xf32, #tpu.memory_space<vmem>>, vector<16xf32>,
      %parallel_loop3A_202 = arith.constant 32 : i32
      %parallel_loop3A_203 = arith.addi %parallel_loop3A_169, %parallel_loop3A_202 : i32
      %parallel_loop3A_204 = arith.index_cast %parallel_loop3A_203 : i32 to index
      %parallel_loop3A_205 = tpu.vector_load %arg5[%parallel_loop3A_204] {strides = array<i32>} : memref<8192xf32, #tpu.memory_space<vmem>>, vector<16xf32>,
      tpu.vector_store %arg5[%parallel_loop3A_204], %parallel_loop3A_178 {strides = array<i32>} : memref<8192xf32, #tpu.memory_space<vmem>>, vector<16xf32>,
      %parallel_loop3A_206 = arith.constant 48 : i32
      %parallel_loop3A_207 = arith.addi %parallel_loop3A_169, %parallel_loop3A_206 : i32
      %parallel_loop3A_208 = arith.index_cast %parallel_loop3A_207 : i32 to index
      %parallel_loop3A_209 = tpu.vector_load %arg5[%parallel_loop3A_208] {strides = array<i32>} : memref<8192xf32, #tpu.memory_space<vmem>>, vector<16xf32>,
      tpu.vector_store %arg5[%parallel_loop3A_208], %parallel_loop3A_181 {strides = array<i32>} : memref<8192xf32, #tpu.memory_space<vmem>>, vector<16xf32>,
      %parallel_loop3A_210 = arith.constant 64 : i32
      %parallel_loop3A_211 = arith.addi %parallel_loop3A_169, %parallel_loop3A_210 : i32
      %parallel_loop3A_212 = arith.index_cast %parallel_loop3A_211 : i32 to index
      %parallel_loop3A_213 = tpu.vector_load %arg5[%parallel_loop3A_212] {strides = array<i32>} : memref<8192xf32, #tpu.memory_space<vmem>>, vector<16xf32>,
      tpu.vector_store %arg5[%parallel_loop3A_212], %parallel_loop3A_184 {strides = array<i32>} : memref<8192xf32, #tpu.memory_space<vmem>>, vector<16xf32>,
      %parallel_loop3A_214 = arith.constant 80 : i32
      %parallel_loop3A_215 = arith.addi %parallel_loop3A_169, %parallel_loop3A_214 : i32
      %parallel_loop3A_216 = arith.index_cast %parallel_loop3A_215 : i32 to index
      %parallel_loop3A_217 = tpu.vector_load %arg5[%parallel_loop3A_216] {strides = array<i32>} : memref<8192xf32, #tpu.memory_space<vmem>>, vector<16xf32>,
      tpu.vector_store %arg5[%parallel_loop3A_216], %parallel_loop3A_187 {strides = array<i32>} : memref<8192xf32, #tpu.memory_space<vmem>>, vector<16xf32>,
      %parallel_loop3A_218 = arith.constant 96 : i32
      %parallel_loop3A_219 = arith.addi %parallel_loop3A_169, %parallel_loop3A_218 : i32
      %parallel_loop3A_220 = arith.index_cast %parallel_loop3A_219 : i32 to index
      %parallel_loop3A_221 = tpu.vector_load %arg5[%parallel_loop3A_220] {strides = array<i32>} : memref<8192xf32, #tpu.memory_space<vmem>>, vector<16xf32>,
      tpu.vector_store %arg5[%parallel_loop3A_220], %parallel_loop3A_190 {strides = array<i32>} : memref<8192xf32, #tpu.memory_space<vmem>>, vector<16xf32>,
      %parallel_loop3A_222 = arith.constant 112 : i32
      %parallel_loop3A_223 = arith.addi %parallel_loop3A_169, %parallel_loop3A_222 : i32
      %parallel_loop3A_224 = arith.index_cast %parallel_loop3A_223 : i32 to index
      %parallel_loop3A_225 = tpu.vector_load %arg5[%parallel_loop3A_224] {strides = array<i32>} : memref<8192xf32, #tpu.memory_space<vmem>>, vector<16xf32>,
      tpu.vector_store %arg5[%parallel_loop3A_224], %parallel_loop3A_193 {strides = array<i32>} : memref<8192xf32, #tpu.memory_space<vmem>>, vector<16xf32>,
    } {sc.loop_unroll_factor = 4 : i64, sc.parallel_access}
    %add3A_54 = arith.constant 0 : i32
    %add3A_55 = arith.addi %mul3A_2, %add3A_54 : i32
    %dma_start3A_56 = tpu.memref_slice %arg4[%add3A_55] : memref<2097152xf32, #tpu.memory_space<hbm>> -> memref<8192xf32, #tpu.memory_space<hbm>>
    %dma_start3A_57 = tpu.memref_slice %arg4[%add3A_55] : memref<2097152xf32, #tpu.memory_space<hbm>> -> memref<8192xf32, #tpu.memory_space<hbm>>
    tpu.enqueue_dma source(%arg5 : memref<8192xf32, #tpu.memory_space<vmem>>) target(%dma_start3A_57 : memref<8192xf32, #tpu.memory_space<hbm>>) target_semaphore(%arg22 : memref<!tpu.dma_semaphore, #tpu.memory_space<semaphore_mem>>)
    %add3A_58 = arith.constant 8192 : i32
    %add3A_59 = arith.addi %mul3A_2, %add3A_58 : i32
    %dma_wait3A_60 = tpu.memref_slice %arg2[%add3A_59] : memref<2097152xf32, #tpu.memory_space<hbm>> -> memref<8192xf32, #tpu.memory_space<hbm>>
    %dma_wait3A_61 = tpu.memref_slice %arg2[%add3A_59] : memref<2097152xf32, #tpu.memory_space<hbm>> -> memref<8192xf32, #tpu.memory_space<hbm>>
    tpu.wait_dma2 semaphore(%arg15 : memref<!tpu.dma_semaphore, #tpu.memory_space<semaphore_mem>>) src(%dma_wait3A_61 : memref<8192xf32, #tpu.memory_space<hbm>>) dst(%arg6 : memref<8192xf32, #tpu.memory_space<vmem>>)
    %parallel_loop3A_62 = arith.constant 0 : i32
    %parallel_loop3A_63 = arith.constant 64 : i32
    %parallel_loop3A_64 = arith.constant 1 : i32
    scf.for %parallel_loop3A_167 = %parallel_loop3A_62 to %parallel_loop3A_63 step %parallel_loop3A_64  : i32 {
      %parallel_loop3A_168 = arith.constant 128 : i32
      %parallel_loop3A_169 = arith.muli %parallel_loop3A_167, %parallel_loop3A_168 : i32
      %parallel_loop3A_170 = vector.broadcast %parallel_loop3A_169 : i32 to vector<16xi32>
      %parallel_loop3A_171 = arith.addi %parallel_loop3A_170, %get3A_34 : vector<16xi32>
      %parallel_loop3A_172 = tpu.vector_load_idx %arg6[%parallel_loop3A_171] : memref<8192xf32, #tpu.memory_space<vmem>>[vector<16xi32>], vector<16xf32>,
      %parallel_loop3A_173 = vector.broadcast %parallel_loop3A_169 : i32 to vector<16xi32>
      %parallel_loop3A_174 = arith.addi %parallel_loop3A_173, %get3A_36 : vector<16xi32>
      %parallel_loop3A_175 = tpu.vector_load_idx %arg6[%parallel_loop3A_174] : memref<8192xf32, #tpu.memory_space<vmem>>[vector<16xi32>], vector<16xf32>,
      %parallel_loop3A_176 = vector.broadcast %parallel_loop3A_169 : i32 to vector<16xi32>
      %parallel_loop3A_177 = arith.addi %parallel_loop3A_176, %get3A_38 : vector<16xi32>
      %parallel_loop3A_178 = tpu.vector_load_idx %arg6[%parallel_loop3A_177] : memref<8192xf32, #tpu.memory_space<vmem>>[vector<16xi32>], vector<16xf32>,
      %parallel_loop3A_179 = vector.broadcast %parallel_loop3A_169 : i32 to vector<16xi32>
      %parallel_loop3A_180 = arith.addi %parallel_loop3A_179, %get3A_40 : vector<16xi32>
      %parallel_loop3A_181 = tpu.vector_load_idx %arg6[%parallel_loop3A_180] : memref<8192xf32, #tpu.memory_space<vmem>>[vector<16xi32>], vector<16xf32>,
      %parallel_loop3A_182 = vector.broadcast %parallel_loop3A_169 : i32 to vector<16xi32>
      %parallel_loop3A_183 = arith.addi %parallel_loop3A_182, %get3A_42 : vector<16xi32>
      %parallel_loop3A_184 = tpu.vector_load_idx %arg6[%parallel_loop3A_183] : memref<8192xf32, #tpu.memory_space<vmem>>[vector<16xi32>], vector<16xf32>,
      %parallel_loop3A_185 = vector.broadcast %parallel_loop3A_169 : i32 to vector<16xi32>
      %parallel_loop3A_186 = arith.addi %parallel_loop3A_185, %get3A_44 : vector<16xi32>
      %parallel_loop3A_187 = tpu.vector_load_idx %arg6[%parallel_loop3A_186] : memref<8192xf32, #tpu.memory_space<vmem>>[vector<16xi32>], vector<16xf32>,
      %parallel_loop3A_188 = vector.broadcast %parallel_loop3A_169 : i32 to vector<16xi32>
      %parallel_loop3A_189 = arith.addi %parallel_loop3A_188, %get3A_46 : vector<16xi32>
      %parallel_loop3A_190 = tpu.vector_load_idx %arg6[%parallel_loop3A_189] : memref<8192xf32, #tpu.memory_space<vmem>>[vector<16xi32>], vector<16xf32>,
      %parallel_loop3A_191 = vector.broadcast %parallel_loop3A_169 : i32 to vector<16xi32>
      %parallel_loop3A_192 = arith.addi %parallel_loop3A_191, %get3A_48 : vector<16xi32>
      %parallel_loop3A_193 = tpu.vector_load_idx %arg6[%parallel_loop3A_192] : memref<8192xf32, #tpu.memory_space<vmem>>[vector<16xi32>], vector<16xf32>,
      %parallel_loop3A_194 = arith.constant 0 : i32
      %parallel_loop3A_195 = arith.addi %parallel_loop3A_169, %parallel_loop3A_194 : i32
      %parallel_loop3A_196 = arith.index_cast %parallel_loop3A_195 : i32 to index
      %parallel_loop3A_197 = tpu.vector_load %arg6[%parallel_loop3A_196] {strides = array<i32>} : memref<8192xf32, #tpu.memory_space<vmem>>, vector<16xf32>,
      tpu.vector_store %arg6[%parallel_loop3A_196], %parallel_loop3A_172 {strides = array<i32>} : memref<8192xf32, #tpu.memory_space<vmem>>, vector<16xf32>,
      %parallel_loop3A_198 = arith.constant 16 : i32
      %parallel_loop3A_199 = arith.addi %parallel_loop3A_169, %parallel_loop3A_198 : i32
      %parallel_loop3A_200 = arith.index_cast %parallel_loop3A_199 : i32 to index
      %parallel_loop3A_201 = tpu.vector_load %arg6[%parallel_loop3A_200] {strides = array<i32>} : memref<8192xf32, #tpu.memory_space<vmem>>, vector<16xf32>,
      tpu.vector_store %arg6[%parallel_loop3A_200], %parallel_loop3A_175 {strides = array<i32>} : memref<8192xf32, #tpu.memory_space<vmem>>, vector<16xf32>,
      %parallel_loop3A_202 = arith.constant 32 : i32
      %parallel_loop3A_203 = arith.addi %parallel_loop3A_169, %parallel_loop3A_202 : i32
      %parallel_loop3A_204 = arith.index_cast %parallel_loop3A_203 : i32 to index
      %parallel_loop3A_205 = tpu.vector_load %arg6[%parallel_loop3A_204] {strides = array<i32>} : memref<8192xf32, #tpu.memory_space<vmem>>, vector<16xf32>,
      tpu.vector_store %arg6[%parallel_loop3A_204], %parallel_loop3A_178 {strides = array<i32>} : memref<8192xf32, #tpu.memory_space<vmem>>, vector<16xf32>,
      %parallel_loop3A_206 = arith.constant 48 : i32
      %parallel_loop3A_207 = arith.addi %parallel_loop3A_169, %parallel_loop3A_206 : i32
      %parallel_loop3A_208 = arith.index_cast %parallel_loop3A_207 : i32 to index
      %parallel_loop3A_209 = tpu.vector_load %arg6[%parallel_loop3A_208] {strides = array<i32>} : memref<8192xf32, #tpu.memory_space<vmem>>, vector<16xf32>,
      tpu.vector_store %arg6[%parallel_loop3A_208], %parallel_loop3A_181 {strides = array<i32>} : memref<8192xf32, #tpu.memory_space<vmem>>, vector<16xf32>,
      %parallel_loop3A_210 = arith.constant 64 : i32
      %parallel_loop3A_211 = arith.addi %parallel_loop3A_169, %parallel_loop3A_210 : i32
      %parallel_loop3A_212 = arith.index_cast %parallel_loop3A_211 : i32 to index
      %parallel_loop3A_213 = tpu.vector_load %arg6[%parallel_loop3A_212] {strides = array<i32>} : memref<8192xf32, #tpu.memory_space<vmem>>, vector<16xf32>,
      tpu.vector_store %arg6[%parallel_loop3A_212], %parallel_loop3A_184 {strides = array<i32>} : memref<8192xf32, #tpu.memory_space<vmem>>, vector<16xf32>,
      %parallel_loop3A_214 = arith.constant 80 : i32
      %parallel_loop3A_215 = arith.addi %parallel_loop3A_169, %parallel_loop3A_214 : i32
      %parallel_loop3A_216 = arith.index_cast %parallel_loop3A_215 : i32 to index
      %parallel_loop3A_217 = tpu.vector_load %arg6[%parallel_loop3A_216] {strides = array<i32>} : memref<8192xf32, #tpu.memory_space<vmem>>, vector<16xf32>,
      tpu.vector_store %arg6[%parallel_loop3A_216], %parallel_loop3A_187 {strides = array<i32>} : memref<8192xf32, #tpu.memory_space<vmem>>, vector<16xf32>,
      %parallel_loop3A_218 = arith.constant 96 : i32
      %parallel_loop3A_219 = arith.addi %parallel_loop3A_169, %parallel_loop3A_218 : i32
      %parallel_loop3A_220 = arith.index_cast %parallel_loop3A_219 : i32 to index
      %parallel_loop3A_221 = tpu.vector_load %arg6[%parallel_loop3A_220] {strides = array<i32>} : memref<8192xf32, #tpu.memory_space<vmem>>, vector<16xf32>,
      tpu.vector_store %arg6[%parallel_loop3A_220], %parallel_loop3A_190 {strides = array<i32>} : memref<8192xf32, #tpu.memory_space<vmem>>, vector<16xf32>,
      %parallel_loop3A_222 = arith.constant 112 : i32
      %parallel_loop3A_223 = arith.addi %parallel_loop3A_169, %parallel_loop3A_222 : i32
      %parallel_loop3A_224 = arith.index_cast %parallel_loop3A_223 : i32 to index
      %parallel_loop3A_225 = tpu.vector_load %arg6[%parallel_loop3A_224] {strides = array<i32>} : memref<8192xf32, #tpu.memory_space<vmem>>, vector<16xf32>,
      tpu.vector_store %arg6[%parallel_loop3A_224], %parallel_loop3A_193 {strides = array<i32>} : memref<8192xf32, #tpu.memory_space<vmem>>, vector<16xf32>,
    } {sc.loop_unroll_factor = 4 : i64, sc.parallel_access}
    %add3A_65 = arith.constant 8192 : i32
    %add3A_66 = arith.addi %mul3A_2, %add3A_65 : i32
    %dma_start3A_67 = tpu.memref_slice %arg4[%add3A_66] : memref<2097152xf32, #tpu.memory_space<hbm>> -> memref<8192xf32, #tpu.memory_space<hbm>>
    %dma_start3A_68 = tpu.memref_slice %arg4[%add3A_66] : memref<2097152xf32, #tpu.memory_space<hbm>> -> memref<8192xf32, #tpu.memory_space<hbm>>
    tpu.enqueue_dma source(%arg6 : memref<8192xf32, #tpu.memory_space<vmem>>) target(%dma_start3A_68 : memref<8192xf32, #tpu.memory_space<hbm>>) target_semaphore(%arg23 : memref<!tpu.dma_semaphore, #tpu.memory_space<semaphore_mem>>)
    %add3A_69 = arith.constant 16384 : i32
    %add3A_70 = arith.addi %mul3A_2, %add3A_69 : i32
    %dma_wait3A_71 = tpu.memref_slice %arg2[%add3A_70] : memref<2097152xf32, #tpu.memory_space<hbm>> -> memref<8192xf32, #tpu.memory_space<hbm>>
    %dma_wait3A_72 = tpu.memref_slice %arg2[%add3A_70] : memref<2097152xf32, #tpu.memory_space<hbm>> -> memref<8192xf32, #tpu.memory_space<hbm>>
    tpu.wait_dma2 semaphore(%arg16 : memref<!tpu.dma_semaphore, #tpu.memory_space<semaphore_mem>>) src(%dma_wait3A_72 : memref<8192xf32, #tpu.memory_space<hbm>>) dst(%arg7 : memref<8192xf32, #tpu.memory_space<vmem>>)
    %parallel_loop3A_73 = arith.constant 0 : i32
    %parallel_loop3A_74 = arith.constant 64 : i32
    %parallel_loop3A_75 = arith.constant 1 : i32
    scf.for %parallel_loop3A_167 = %parallel_loop3A_73 to %parallel_loop3A_74 step %parallel_loop3A_75  : i32 {
      %parallel_loop3A_168 = arith.constant 128 : i32
      %parallel_loop3A_169 = arith.muli %parallel_loop3A_167, %parallel_loop3A_168 : i32
      %parallel_loop3A_170 = vector.broadcast %parallel_loop3A_169 : i32 to vector<16xi32>
      %parallel_loop3A_171 = arith.addi %parallel_loop3A_170, %get3A_34 : vector<16xi32>
      %parallel_loop3A_172 = tpu.vector_load_idx %arg7[%parallel_loop3A_171] : memref<8192xf32, #tpu.memory_space<vmem>>[vector<16xi32>], vector<16xf32>,
      %parallel_loop3A_173 = vector.broadcast %parallel_loop3A_169 : i32 to vector<16xi32>
      %parallel_loop3A_174 = arith.addi %parallel_loop3A_173, %get3A_36 : vector<16xi32>
      %parallel_loop3A_175 = tpu.vector_load_idx %arg7[%parallel_loop3A_174] : memref<8192xf32, #tpu.memory_space<vmem>>[vector<16xi32>], vector<16xf32>,
      %parallel_loop3A_176 = vector.broadcast %parallel_loop3A_169 : i32 to vector<16xi32>
      %parallel_loop3A_177 = arith.addi %parallel_loop3A_176, %get3A_38 : vector<16xi32>
      %parallel_loop3A_178 = tpu.vector_load_idx %arg7[%parallel_loop3A_177] : memref<8192xf32, #tpu.memory_space<vmem>>[vector<16xi32>], vector<16xf32>,
      %parallel_loop3A_179 = vector.broadcast %parallel_loop3A_169 : i32 to vector<16xi32>
      %parallel_loop3A_180 = arith.addi %parallel_loop3A_179, %get3A_40 : vector<16xi32>
      %parallel_loop3A_181 = tpu.vector_load_idx %arg7[%parallel_loop3A_180] : memref<8192xf32, #tpu.memory_space<vmem>>[vector<16xi32>], vector<16xf32>,
      %parallel_loop3A_182 = vector.broadcast %parallel_loop3A_169 : i32 to vector<16xi32>
      %parallel_loop3A_183 = arith.addi %parallel_loop3A_182, %get3A_42 : vector<16xi32>
      %parallel_loop3A_184 = tpu.vector_load_idx %arg7[%parallel_loop3A_183] : memref<8192xf32, #tpu.memory_space<vmem>>[vector<16xi32>], vector<16xf32>,
      %parallel_loop3A_185 = vector.broadcast %parallel_loop3A_169 : i32 to vector<16xi32>
      %parallel_loop3A_186 = arith.addi %parallel_loop3A_185, %get3A_44 : vector<16xi32>
      %parallel_loop3A_187 = tpu.vector_load_idx %arg7[%parallel_loop3A_186] : memref<8192xf32, #tpu.memory_space<vmem>>[vector<16xi32>], vector<16xf32>,
      %parallel_loop3A_188 = vector.broadcast %parallel_loop3A_169 : i32 to vector<16xi32>
      %parallel_loop3A_189 = arith.addi %parallel_loop3A_188, %get3A_46 : vector<16xi32>
      %parallel_loop3A_190 = tpu.vector_load_idx %arg7[%parallel_loop3A_189] : memref<8192xf32, #tpu.memory_space<vmem>>[vector<16xi32>], vector<16xf32>,
      %parallel_loop3A_191 = vector.broadcast %parallel_loop3A_169 : i32 to vector<16xi32>
      %parallel_loop3A_192 = arith.addi %parallel_loop3A_191, %get3A_48 : vector<16xi32>
      %parallel_loop3A_193 = tpu.vector_load_idx %arg7[%parallel_loop3A_192] : memref<8192xf32, #tpu.memory_space<vmem>>[vector<16xi32>], vector<16xf32>,
      %parallel_loop3A_194 = arith.constant 0 : i32
      %parallel_loop3A_195 = arith.addi %parallel_loop3A_169, %parallel_loop3A_194 : i32
      %parallel_loop3A_196 = arith.index_cast %parallel_loop3A_195 : i32 to index
      %parallel_loop3A_197 = tpu.vector_load %arg7[%parallel_loop3A_196] {strides = array<i32>} : memref<8192xf32, #tpu.memory_space<vmem>>, vector<16xf32>,
      tpu.vector_store %arg7[%parallel_loop3A_196], %parallel_loop3A_172 {strides = array<i32>} : memref<8192xf32, #tpu.memory_space<vmem>>, vector<16xf32>,
      %parallel_loop3A_198 = arith.constant 16 : i32
      %parallel_loop3A_199 = arith.addi %parallel_loop3A_169, %parallel_loop3A_198 : i32
      %parallel_loop3A_200 = arith.index_cast %parallel_loop3A_199 : i32 to index
      %parallel_loop3A_201 = tpu.vector_load %arg7[%parallel_loop3A_200] {strides = array<i32>} : memref<8192xf32, #tpu.memory_space<vmem>>, vector<16xf32>,
      tpu.vector_store %arg7[%parallel_loop3A_200], %parallel_loop3A_175 {strides = array<i32>} : memref<8192xf32, #tpu.memory_space<vmem>>, vector<16xf32>,
      %parallel_loop3A_202 = arith.constant 32 : i32
      %parallel_loop3A_203 = arith.addi %parallel_loop3A_169, %parallel_loop3A_202 : i32
      %parallel_loop3A_204 = arith.index_cast %parallel_loop3A_203 : i32 to index
      %parallel_loop3A_205 = tpu.vector_load %arg7[%parallel_loop3A_204] {strides = array<i32>} : memref<8192xf32, #tpu.memory_space<vmem>>, vector<16xf32>,
      tpu.vector_store %arg7[%parallel_loop3A_204], %parallel_loop3A_178 {strides = array<i32>} : memref<8192xf32, #tpu.memory_space<vmem>>, vector<16xf32>,
      %parallel_loop3A_206 = arith.constant 48 : i32
      %parallel_loop3A_207 = arith.addi %parallel_loop3A_169, %parallel_loop3A_206 : i32
      %parallel_loop3A_208 = arith.index_cast %parallel_loop3A_207 : i32 to index
      %parallel_loop3A_209 = tpu.vector_load %arg7[%parallel_loop3A_208] {strides = array<i32>} : memref<8192xf32, #tpu.memory_space<vmem>>, vector<16xf32>,
      tpu.vector_store %arg7[%parallel_loop3A_208], %parallel_loop3A_181 {strides = array<i32>} : memref<8192xf32, #tpu.memory_space<vmem>>, vector<16xf32>,
      %parallel_loop3A_210 = arith.constant 64 : i32
      %parallel_loop3A_211 = arith.addi %parallel_loop3A_169, %parallel_loop3A_210 : i32
      %parallel_loop3A_212 = arith.index_cast %parallel_loop3A_211 : i32 to index
      %parallel_loop3A_213 = tpu.vector_load %arg7[%parallel_loop3A_212] {strides = array<i32>} : memref<8192xf32, #tpu.memory_space<vmem>>, vector<16xf32>,
      tpu.vector_store %arg7[%parallel_loop3A_212], %parallel_loop3A_184 {strides = array<i32>} : memref<8192xf32, #tpu.memory_space<vmem>>, vector<16xf32>,
      %parallel_loop3A_214 = arith.constant 80 : i32
      %parallel_loop3A_215 = arith.addi %parallel_loop3A_169, %parallel_loop3A_214 : i32
      %parallel_loop3A_216 = arith.index_cast %parallel_loop3A_215 : i32 to index
      %parallel_loop3A_217 = tpu.vector_load %arg7[%parallel_loop3A_216] {strides = array<i32>} : memref<8192xf32, #tpu.memory_space<vmem>>, vector<16xf32>,
      tpu.vector_store %arg7[%parallel_loop3A_216], %parallel_loop3A_187 {strides = array<i32>} : memref<8192xf32, #tpu.memory_space<vmem>>, vector<16xf32>,
      %parallel_loop3A_218 = arith.constant 96 : i32
      %parallel_loop3A_219 = arith.addi %parallel_loop3A_169, %parallel_loop3A_218 : i32
      %parallel_loop3A_220 = arith.index_cast %parallel_loop3A_219 : i32 to index
      %parallel_loop3A_221 = tpu.vector_load %arg7[%parallel_loop3A_220] {strides = array<i32>} : memref<8192xf32, #tpu.memory_space<vmem>>, vector<16xf32>,
      tpu.vector_store %arg7[%parallel_loop3A_220], %parallel_loop3A_190 {strides = array<i32>} : memref<8192xf32, #tpu.memory_space<vmem>>, vector<16xf32>,
      %parallel_loop3A_222 = arith.constant 112 : i32
      %parallel_loop3A_223 = arith.addi %parallel_loop3A_169, %parallel_loop3A_222 : i32
      %parallel_loop3A_224 = arith.index_cast %parallel_loop3A_223 : i32 to index
      %parallel_loop3A_225 = tpu.vector_load %arg7[%parallel_loop3A_224] {strides = array<i32>} : memref<8192xf32, #tpu.memory_space<vmem>>, vector<16xf32>,
      tpu.vector_store %arg7[%parallel_loop3A_224], %parallel_loop3A_193 {strides = array<i32>} : memref<8192xf32, #tpu.memory_space<vmem>>, vector<16xf32>,
    } {sc.loop_unroll_factor = 4 : i64, sc.parallel_access}
    %add3A_76 = arith.constant 16384 : i32
    %add3A_77 = arith.addi %mul3A_2, %add3A_76 : i32
    %dma_start3A_78 = tpu.memref_slice %arg4[%add3A_77] : memref<2097152xf32, #tpu.memory_space<hbm>> -> memref<8192xf32, #tpu.memory_space<hbm>>
    %dma_start3A_79 = tpu.memref_slice %arg4[%add3A_77] : memref<2097152xf32, #tpu.memory_space<hbm>> -> memref<8192xf32, #tpu.memory_space<hbm>>
    tpu.enqueue_dma source(%arg7 : memref<8192xf32, #tpu.memory_space<vmem>>) target(%dma_start3A_79 : memref<8192xf32, #tpu.memory_space<hbm>>) target_semaphore(%arg24 : memref<!tpu.dma_semaphore, #tpu.memory_space<semaphore_mem>>)
    %add3A_80 = arith.constant 24576 : i32
    %add3A_81 = arith.addi %mul3A_2, %add3A_80 : i32
    %dma_wait3A_82 = tpu.memref_slice %arg2[%add3A_81] : memref<2097152xf32, #tpu.memory_space<hbm>> -> memref<8192xf32, #tpu.memory_space<hbm>>
    %dma_wait3A_83 = tpu.memref_slice %arg2[%add3A_81] : memref<2097152xf32, #tpu.memory_space<hbm>> -> memref<8192xf32, #tpu.memory_space<hbm>>
    tpu.wait_dma2 semaphore(%arg17 : memref<!tpu.dma_semaphore, #tpu.memory_space<semaphore_mem>>) src(%dma_wait3A_83 : memref<8192xf32, #tpu.memory_space<hbm>>) dst(%arg8 : memref<8192xf32, #tpu.memory_space<vmem>>)
    %parallel_loop3A_84 = arith.constant 0 : i32
    %parallel_loop3A_85 = arith.constant 64 : i32
    %parallel_loop3A_86 = arith.constant 1 : i32
    scf.for %parallel_loop3A_167 = %parallel_loop3A_84 to %parallel_loop3A_85 step %parallel_loop3A_86  : i32 {
      %parallel_loop3A_168 = arith.constant 128 : i32
      %parallel_loop3A_169 = arith.muli %parallel_loop3A_167, %parallel_loop3A_168 : i32
      %parallel_loop3A_170 = vector.broadcast %parallel_loop3A_169 : i32 to vector<16xi32>
      %parallel_loop3A_171 = arith.addi %parallel_loop3A_170, %get3A_34 : vector<16xi32>
      %parallel_loop3A_172 = tpu.vector_load_idx %arg8[%parallel_loop3A_171] : memref<8192xf32, #tpu.memory_space<vmem>>[vector<16xi32>], vector<16xf32>,
      %parallel_loop3A_173 = vector.broadcast %parallel_loop3A_169 : i32 to vector<16xi32>
      %parallel_loop3A_174 = arith.addi %parallel_loop3A_173, %get3A_36 : vector<16xi32>
      %parallel_loop3A_175 = tpu.vector_load_idx %arg8[%parallel_loop3A_174] : memref<8192xf32, #tpu.memory_space<vmem>>[vector<16xi32>], vector<16xf32>,
      %parallel_loop3A_176 = vector.broadcast %parallel_loop3A_169 : i32 to vector<16xi32>
      %parallel_loop3A_177 = arith.addi %parallel_loop3A_176, %get3A_38 : vector<16xi32>
      %parallel_loop3A_178 = tpu.vector_load_idx %arg8[%parallel_loop3A_177] : memref<8192xf32, #tpu.memory_space<vmem>>[vector<16xi32>], vector<16xf32>,
      %parallel_loop3A_179 = vector.broadcast %parallel_loop3A_169 : i32 to vector<16xi32>
      %parallel_loop3A_180 = arith.addi %parallel_loop3A_179, %get3A_40 : vector<16xi32>
      %parallel_loop3A_181 = tpu.vector_load_idx %arg8[%parallel_loop3A_180] : memref<8192xf32, #tpu.memory_space<vmem>>[vector<16xi32>], vector<16xf32>,
      %parallel_loop3A_182 = vector.broadcast %parallel_loop3A_169 : i32 to vector<16xi32>
      %parallel_loop3A_183 = arith.addi %parallel_loop3A_182, %get3A_42 : vector<16xi32>
      %parallel_loop3A_184 = tpu.vector_load_idx %arg8[%parallel_loop3A_183] : memref<8192xf32, #tpu.memory_space<vmem>>[vector<16xi32>], vector<16xf32>,
      %parallel_loop3A_185 = vector.broadcast %parallel_loop3A_169 : i32 to vector<16xi32>
      %parallel_loop3A_186 = arith.addi %parallel_loop3A_185, %get3A_44 : vector<16xi32>
      %parallel_loop3A_187 = tpu.vector_load_idx %arg8[%parallel_loop3A_186] : memref<8192xf32, #tpu.memory_space<vmem>>[vector<16xi32>], vector<16xf32>,
      %parallel_loop3A_188 = vector.broadcast %parallel_loop3A_169 : i32 to vector<16xi32>
      %parallel_loop3A_189 = arith.addi %parallel_loop3A_188, %get3A_46 : vector<16xi32>
      %parallel_loop3A_190 = tpu.vector_load_idx %arg8[%parallel_loop3A_189] : memref<8192xf32, #tpu.memory_space<vmem>>[vector<16xi32>], vector<16xf32>,
      %parallel_loop3A_191 = vector.broadcast %parallel_loop3A_169 : i32 to vector<16xi32>
      %parallel_loop3A_192 = arith.addi %parallel_loop3A_191, %get3A_48 : vector<16xi32>
      %parallel_loop3A_193 = tpu.vector_load_idx %arg8[%parallel_loop3A_192] : memref<8192xf32, #tpu.memory_space<vmem>>[vector<16xi32>], vector<16xf32>,
      %parallel_loop3A_194 = arith.constant 0 : i32
      %parallel_loop3A_195 = arith.addi %parallel_loop3A_169, %parallel_loop3A_194 : i32
      %parallel_loop3A_196 = arith.index_cast %parallel_loop3A_195 : i32 to index
      %parallel_loop3A_197 = tpu.vector_load %arg8[%parallel_loop3A_196] {strides = array<i32>} : memref<8192xf32, #tpu.memory_space<vmem>>, vector<16xf32>,
      tpu.vector_store %arg8[%parallel_loop3A_196], %parallel_loop3A_172 {strides = array<i32>} : memref<8192xf32, #tpu.memory_space<vmem>>, vector<16xf32>,
      %parallel_loop3A_198 = arith.constant 16 : i32
      %parallel_loop3A_199 = arith.addi %parallel_loop3A_169, %parallel_loop3A_198 : i32
      %parallel_loop3A_200 = arith.index_cast %parallel_loop3A_199 : i32 to index
      %parallel_loop3A_201 = tpu.vector_load %arg8[%parallel_loop3A_200] {strides = array<i32>} : memref<8192xf32, #tpu.memory_space<vmem>>, vector<16xf32>,
      tpu.vector_store %arg8[%parallel_loop3A_200], %parallel_loop3A_175 {strides = array<i32>} : memref<8192xf32, #tpu.memory_space<vmem>>, vector<16xf32>,
      %parallel_loop3A_202 = arith.constant 32 : i32
      %parallel_loop3A_203 = arith.addi %parallel_loop3A_169, %parallel_loop3A_202 : i32
      %parallel_loop3A_204 = arith.index_cast %parallel_loop3A_203 : i32 to index
      %parallel_loop3A_205 = tpu.vector_load %arg8[%parallel_loop3A_204] {strides = array<i32>} : memref<8192xf32, #tpu.memory_space<vmem>>, vector<16xf32>,
      tpu.vector_store %arg8[%parallel_loop3A_204], %parallel_loop3A_178 {strides = array<i32>} : memref<8192xf32, #tpu.memory_space<vmem>>, vector<16xf32>,
      %parallel_loop3A_206 = arith.constant 48 : i32
      %parallel_loop3A_207 = arith.addi %parallel_loop3A_169, %parallel_loop3A_206 : i32
      %parallel_loop3A_208 = arith.index_cast %parallel_loop3A_207 : i32 to index
      %parallel_loop3A_209 = tpu.vector_load %arg8[%parallel_loop3A_208] {strides = array<i32>} : memref<8192xf32, #tpu.memory_space<vmem>>, vector<16xf32>,
      tpu.vector_store %arg8[%parallel_loop3A_208], %parallel_loop3A_181 {strides = array<i32>} : memref<8192xf32, #tpu.memory_space<vmem>>, vector<16xf32>,
      %parallel_loop3A_210 = arith.constant 64 : i32
      %parallel_loop3A_211 = arith.addi %parallel_loop3A_169, %parallel_loop3A_210 : i32
      %parallel_loop3A_212 = arith.index_cast %parallel_loop3A_211 : i32 to index
      %parallel_loop3A_213 = tpu.vector_load %arg8[%parallel_loop3A_212] {strides = array<i32>} : memref<8192xf32, #tpu.memory_space<vmem>>, vector<16xf32>,
      tpu.vector_store %arg8[%parallel_loop3A_212], %parallel_loop3A_184 {strides = array<i32>} : memref<8192xf32, #tpu.memory_space<vmem>>, vector<16xf32>,
      %parallel_loop3A_214 = arith.constant 80 : i32
      %parallel_loop3A_215 = arith.addi %parallel_loop3A_169, %parallel_loop3A_214 : i32
      %parallel_loop3A_216 = arith.index_cast %parallel_loop3A_215 : i32 to index
      %parallel_loop3A_217 = tpu.vector_load %arg8[%parallel_loop3A_216] {strides = array<i32>} : memref<8192xf32, #tpu.memory_space<vmem>>, vector<16xf32>,
      tpu.vector_store %arg8[%parallel_loop3A_216], %parallel_loop3A_187 {strides = array<i32>} : memref<8192xf32, #tpu.memory_space<vmem>>, vector<16xf32>,
      %parallel_loop3A_218 = arith.constant 96 : i32
      %parallel_loop3A_219 = arith.addi %parallel_loop3A_169, %parallel_loop3A_218 : i32
      %parallel_loop3A_220 = arith.index_cast %parallel_loop3A_219 : i32 to index
      %parallel_loop3A_221 = tpu.vector_load %arg8[%parallel_loop3A_220] {strides = array<i32>} : memref<8192xf32, #tpu.memory_space<vmem>>, vector<16xf32>,
      tpu.vector_store %arg8[%parallel_loop3A_220], %parallel_loop3A_190 {strides = array<i32>} : memref<8192xf32, #tpu.memory_space<vmem>>, vector<16xf32>,
      %parallel_loop3A_222 = arith.constant 112 : i32
      %parallel_loop3A_223 = arith.addi %parallel_loop3A_169, %parallel_loop3A_222 : i32
      %parallel_loop3A_224 = arith.index_cast %parallel_loop3A_223 : i32 to index
      %parallel_loop3A_225 = tpu.vector_load %arg8[%parallel_loop3A_224] {strides = array<i32>} : memref<8192xf32, #tpu.memory_space<vmem>>, vector<16xf32>,
      tpu.vector_store %arg8[%parallel_loop3A_224], %parallel_loop3A_193 {strides = array<i32>} : memref<8192xf32, #tpu.memory_space<vmem>>, vector<16xf32>,
    } {sc.loop_unroll_factor = 4 : i64, sc.parallel_access}
    %add3A_87 = arith.constant 24576 : i32
    %add3A_88 = arith.addi %mul3A_2, %add3A_87 : i32
    %dma_start3A_89 = tpu.memref_slice %arg4[%add3A_88] : memref<2097152xf32, #tpu.memory_space<hbm>> -> memref<8192xf32, #tpu.memory_space<hbm>>
    %dma_start3A_90 = tpu.memref_slice %arg4[%add3A_88] : memref<2097152xf32, #tpu.memory_space<hbm>> -> memref<8192xf32, #tpu.memory_space<hbm>>
    tpu.enqueue_dma source(%arg8 : memref<8192xf32, #tpu.memory_space<vmem>>) target(%dma_start3A_90 : memref<8192xf32, #tpu.memory_space<hbm>>) target_semaphore(%arg25 : memref<!tpu.dma_semaphore, #tpu.memory_space<semaphore_mem>>)
    %add3A_91 = arith.constant 32768 : i32
    %add3A_92 = arith.addi %mul3A_2, %add3A_91 : i32
    %dma_wait3A_93 = tpu.memref_slice %arg2[%add3A_92] : memref<2097152xf32, #tpu.memory_space<hbm>> -> memref<8192xf32, #tpu.memory_space<hbm>>
    %dma_wait3A_94 = tpu.memref_slice %arg2[%add3A_92] : memref<2097152xf32, #tpu.memory_space<hbm>> -> memref<8192xf32, #tpu.memory_space<hbm>>
    tpu.wait_dma2 semaphore(%arg18 : memref<!tpu.dma_semaphore, #tpu.memory_space<semaphore_mem>>) src(%dma_wait3A_94 : memref<8192xf32, #tpu.memory_space<hbm>>) dst(%arg9 : memref<8192xf32, #tpu.memory_space<vmem>>)
    %parallel_loop3A_95 = arith.constant 0 : i32
    %parallel_loop3A_96 = arith.constant 64 : i32
    %parallel_loop3A_97 = arith.constant 1 : i32
    scf.for %parallel_loop3A_167 = %parallel_loop3A_95 to %parallel_loop3A_96 step %parallel_loop3A_97  : i32 {
      %parallel_loop3A_168 = arith.constant 128 : i32
      %parallel_loop3A_169 = arith.muli %parallel_loop3A_167, %parallel_loop3A_168 : i32
      %parallel_loop3A_170 = vector.broadcast %parallel_loop3A_169 : i32 to vector<16xi32>
      %parallel_loop3A_171 = arith.addi %parallel_loop3A_170, %get3A_34 : vector<16xi32>
      %parallel_loop3A_172 = tpu.vector_load_idx %arg9[%parallel_loop3A_171] : memref<8192xf32, #tpu.memory_space<vmem>>[vector<16xi32>], vector<16xf32>,
      %parallel_loop3A_173 = vector.broadcast %parallel_loop3A_169 : i32 to vector<16xi32>
      %parallel_loop3A_174 = arith.addi %parallel_loop3A_173, %get3A_36 : vector<16xi32>
      %parallel_loop3A_175 = tpu.vector_load_idx %arg9[%parallel_loop3A_174] : memref<8192xf32, #tpu.memory_space<vmem>>[vector<16xi32>], vector<16xf32>,
      %parallel_loop3A_176 = vector.broadcast %parallel_loop3A_169 : i32 to vector<16xi32>
      %parallel_loop3A_177 = arith.addi %parallel_loop3A_176, %get3A_38 : vector<16xi32>
      %parallel_loop3A_178 = tpu.vector_load_idx %arg9[%parallel_loop3A_177] : memref<8192xf32, #tpu.memory_space<vmem>>[vector<16xi32>], vector<16xf32>,
      %parallel_loop3A_179 = vector.broadcast %parallel_loop3A_169 : i32 to vector<16xi32>
      %parallel_loop3A_180 = arith.addi %parallel_loop3A_179, %get3A_40 : vector<16xi32>
      %parallel_loop3A_181 = tpu.vector_load_idx %arg9[%parallel_loop3A_180] : memref<8192xf32, #tpu.memory_space<vmem>>[vector<16xi32>], vector<16xf32>,
      %parallel_loop3A_182 = vector.broadcast %parallel_loop3A_169 : i32 to vector<16xi32>
      %parallel_loop3A_183 = arith.addi %parallel_loop3A_182, %get3A_42 : vector<16xi32>
      %parallel_loop3A_184 = tpu.vector_load_idx %arg9[%parallel_loop3A_183] : memref<8192xf32, #tpu.memory_space<vmem>>[vector<16xi32>], vector<16xf32>,
      %parallel_loop3A_185 = vector.broadcast %parallel_loop3A_169 : i32 to vector<16xi32>
      %parallel_loop3A_186 = arith.addi %parallel_loop3A_185, %get3A_44 : vector<16xi32>
      %parallel_loop3A_187 = tpu.vector_load_idx %arg9[%parallel_loop3A_186] : memref<8192xf32, #tpu.memory_space<vmem>>[vector<16xi32>], vector<16xf32>,
      %parallel_loop3A_188 = vector.broadcast %parallel_loop3A_169 : i32 to vector<16xi32>
      %parallel_loop3A_189 = arith.addi %parallel_loop3A_188, %get3A_46 : vector<16xi32>
      %parallel_loop3A_190 = tpu.vector_load_idx %arg9[%parallel_loop3A_189] : memref<8192xf32, #tpu.memory_space<vmem>>[vector<16xi32>], vector<16xf32>,
      %parallel_loop3A_191 = vector.broadcast %parallel_loop3A_169 : i32 to vector<16xi32>
      %parallel_loop3A_192 = arith.addi %parallel_loop3A_191, %get3A_48 : vector<16xi32>
      %parallel_loop3A_193 = tpu.vector_load_idx %arg9[%parallel_loop3A_192] : memref<8192xf32, #tpu.memory_space<vmem>>[vector<16xi32>], vector<16xf32>,
      %parallel_loop3A_194 = arith.constant 0 : i32
      %parallel_loop3A_195 = arith.addi %parallel_loop3A_169, %parallel_loop3A_194 : i32
      %parallel_loop3A_196 = arith.index_cast %parallel_loop3A_195 : i32 to index
      %parallel_loop3A_197 = tpu.vector_load %arg9[%parallel_loop3A_196] {strides = array<i32>} : memref<8192xf32, #tpu.memory_space<vmem>>, vector<16xf32>,
      tpu.vector_store %arg9[%parallel_loop3A_196], %parallel_loop3A_172 {strides = array<i32>} : memref<8192xf32, #tpu.memory_space<vmem>>, vector<16xf32>,
      %parallel_loop3A_198 = arith.constant 16 : i32
      %parallel_loop3A_199 = arith.addi %parallel_loop3A_169, %parallel_loop3A_198 : i32
      %parallel_loop3A_200 = arith.index_cast %parallel_loop3A_199 : i32 to index
      %parallel_loop3A_201 = tpu.vector_load %arg9[%parallel_loop3A_200] {strides = array<i32>} : memref<8192xf32, #tpu.memory_space<vmem>>, vector<16xf32>,
      tpu.vector_store %arg9[%parallel_loop3A_200], %parallel_loop3A_175 {strides = array<i32>} : memref<8192xf32, #tpu.memory_space<vmem>>, vector<16xf32>,
      %parallel_loop3A_202 = arith.constant 32 : i32
      %parallel_loop3A_203 = arith.addi %parallel_loop3A_169, %parallel_loop3A_202 : i32
      %parallel_loop3A_204 = arith.index_cast %parallel_loop3A_203 : i32 to index
      %parallel_loop3A_205 = tpu.vector_load %arg9[%parallel_loop3A_204] {strides = array<i32>} : memref<8192xf32, #tpu.memory_space<vmem>>, vector<16xf32>,
      tpu.vector_store %arg9[%parallel_loop3A_204], %parallel_loop3A_178 {strides = array<i32>} : memref<8192xf32, #tpu.memory_space<vmem>>, vector<16xf32>,
      %parallel_loop3A_206 = arith.constant 48 : i32
      %parallel_loop3A_207 = arith.addi %parallel_loop3A_169, %parallel_loop3A_206 : i32
      %parallel_loop3A_208 = arith.index_cast %parallel_loop3A_207 : i32 to index
      %parallel_loop3A_209 = tpu.vector_load %arg9[%parallel_loop3A_208] {strides = array<i32>} : memref<8192xf32, #tpu.memory_space<vmem>>, vector<16xf32>,
      tpu.vector_store %arg9[%parallel_loop3A_208], %parallel_loop3A_181 {strides = array<i32>} : memref<8192xf32, #tpu.memory_space<vmem>>, vector<16xf32>,
      %parallel_loop3A_210 = arith.constant 64 : i32
      %parallel_loop3A_211 = arith.addi %parallel_loop3A_169, %parallel_loop3A_210 : i32
      %parallel_loop3A_212 = arith.index_cast %parallel_loop3A_211 : i32 to index
      %parallel_loop3A_213 = tpu.vector_load %arg9[%parallel_loop3A_212] {strides = array<i32>} : memref<8192xf32, #tpu.memory_space<vmem>>, vector<16xf32>,
      tpu.vector_store %arg9[%parallel_loop3A_212], %parallel_loop3A_184 {strides = array<i32>} : memref<8192xf32, #tpu.memory_space<vmem>>, vector<16xf32>,
      %parallel_loop3A_214 = arith.constant 80 : i32
      %parallel_loop3A_215 = arith.addi %parallel_loop3A_169, %parallel_loop3A_214 : i32
      %parallel_loop3A_216 = arith.index_cast %parallel_loop3A_215 : i32 to index
      %parallel_loop3A_217 = tpu.vector_load %arg9[%parallel_loop3A_216] {strides = array<i32>} : memref<8192xf32, #tpu.memory_space<vmem>>, vector<16xf32>,
      tpu.vector_store %arg9[%parallel_loop3A_216], %parallel_loop3A_187 {strides = array<i32>} : memref<8192xf32, #tpu.memory_space<vmem>>, vector<16xf32>,
      %parallel_loop3A_218 = arith.constant 96 : i32
      %parallel_loop3A_219 = arith.addi %parallel_loop3A_169, %parallel_loop3A_218 : i32
      %parallel_loop3A_220 = arith.index_cast %parallel_loop3A_219 : i32 to index
      %parallel_loop3A_221 = tpu.vector_load %arg9[%parallel_loop3A_220] {strides = array<i32>} : memref<8192xf32, #tpu.memory_space<vmem>>, vector<16xf32>,
      tpu.vector_store %arg9[%parallel_loop3A_220], %parallel_loop3A_190 {strides = array<i32>} : memref<8192xf32, #tpu.memory_space<vmem>>, vector<16xf32>,
      %parallel_loop3A_222 = arith.constant 112 : i32
      %parallel_loop3A_223 = arith.addi %parallel_loop3A_169, %parallel_loop3A_222 : i32
      %parallel_loop3A_224 = arith.index_cast %parallel_loop3A_223 : i32 to index
      %parallel_loop3A_225 = tpu.vector_load %arg9[%parallel_loop3A_224] {strides = array<i32>} : memref<8192xf32, #tpu.memory_space<vmem>>, vector<16xf32>,
      tpu.vector_store %arg9[%parallel_loop3A_224], %parallel_loop3A_193 {strides = array<i32>} : memref<8192xf32, #tpu.memory_space<vmem>>, vector<16xf32>,
    } {sc.loop_unroll_factor = 4 : i64, sc.parallel_access}
    %add3A_98 = arith.constant 32768 : i32
    %add3A_99 = arith.addi %mul3A_2, %add3A_98 : i32
    %dma_start3A_100 = tpu.memref_slice %arg4[%add3A_99] : memref<2097152xf32, #tpu.memory_space<hbm>> -> memref<8192xf32, #tpu.memory_space<hbm>>
    %dma_start3A_101 = tpu.memref_slice %arg4[%add3A_99] : memref<2097152xf32, #tpu.memory_space<hbm>> -> memref<8192xf32, #tpu.memory_space<hbm>>
    tpu.enqueue_dma source(%arg9 : memref<8192xf32, #tpu.memory_space<vmem>>) target(%dma_start3A_101 : memref<8192xf32, #tpu.memory_space<hbm>>) target_semaphore(%arg26 : memref<!tpu.dma_semaphore, #tpu.memory_space<semaphore_mem>>)
    %add3A_102 = arith.constant 40960 : i32
    %add3A_103 = arith.addi %mul3A_2, %add3A_102 : i32
    %dma_wait3A_104 = tpu.memref_slice %arg2[%add3A_103] : memref<2097152xf32, #tpu.memory_space<hbm>> -> memref<8192xf32, #tpu.memory_space<hbm>>
    %dma_wait3A_105 = tpu.memref_slice %arg2[%add3A_103] : memref<2097152xf32, #tpu.memory_space<hbm>> -> memref<8192xf32, #tpu.memory_space<hbm>>
    tpu.wait_dma2 semaphore(%arg19 : memref<!tpu.dma_semaphore, #tpu.memory_space<semaphore_mem>>) src(%dma_wait3A_105 : memref<8192xf32, #tpu.memory_space<hbm>>) dst(%arg10 : memref<8192xf32, #tpu.memory_space<vmem>>)
    %parallel_loop3A_106 = arith.constant 0 : i32
    %parallel_loop3A_107 = arith.constant 64 : i32
    %parallel_loop3A_108 = arith.constant 1 : i32
    scf.for %parallel_loop3A_167 = %parallel_loop3A_106 to %parallel_loop3A_107 step %parallel_loop3A_108  : i32 {
      %parallel_loop3A_168 = arith.constant 128 : i32
      %parallel_loop3A_169 = arith.muli %parallel_loop3A_167, %parallel_loop3A_168 : i32
      %parallel_loop3A_170 = vector.broadcast %parallel_loop3A_169 : i32 to vector<16xi32>
      %parallel_loop3A_171 = arith.addi %parallel_loop3A_170, %get3A_34 : vector<16xi32>
      %parallel_loop3A_172 = tpu.vector_load_idx %arg10[%parallel_loop3A_171] : memref<8192xf32, #tpu.memory_space<vmem>>[vector<16xi32>], vector<16xf32>,
      %parallel_loop3A_173 = vector.broadcast %parallel_loop3A_169 : i32 to vector<16xi32>
      %parallel_loop3A_174 = arith.addi %parallel_loop3A_173, %get3A_36 : vector<16xi32>
      %parallel_loop3A_175 = tpu.vector_load_idx %arg10[%parallel_loop3A_174] : memref<8192xf32, #tpu.memory_space<vmem>>[vector<16xi32>], vector<16xf32>,
      %parallel_loop3A_176 = vector.broadcast %parallel_loop3A_169 : i32 to vector<16xi32>
      %parallel_loop3A_177 = arith.addi %parallel_loop3A_176, %get3A_38 : vector<16xi32>
      %parallel_loop3A_178 = tpu.vector_load_idx %arg10[%parallel_loop3A_177] : memref<8192xf32, #tpu.memory_space<vmem>>[vector<16xi32>], vector<16xf32>,
      %parallel_loop3A_179 = vector.broadcast %parallel_loop3A_169 : i32 to vector<16xi32>
      %parallel_loop3A_180 = arith.addi %parallel_loop3A_179, %get3A_40 : vector<16xi32>
      %parallel_loop3A_181 = tpu.vector_load_idx %arg10[%parallel_loop3A_180] : memref<8192xf32, #tpu.memory_space<vmem>>[vector<16xi32>], vector<16xf32>,
      %parallel_loop3A_182 = vector.broadcast %parallel_loop3A_169 : i32 to vector<16xi32>
      %parallel_loop3A_183 = arith.addi %parallel_loop3A_182, %get3A_42 : vector<16xi32>
      %parallel_loop3A_184 = tpu.vector_load_idx %arg10[%parallel_loop3A_183] : memref<8192xf32, #tpu.memory_space<vmem>>[vector<16xi32>], vector<16xf32>,
      %parallel_loop3A_185 = vector.broadcast %parallel_loop3A_169 : i32 to vector<16xi32>
      %parallel_loop3A_186 = arith.addi %parallel_loop3A_185, %get3A_44 : vector<16xi32>
      %parallel_loop3A_187 = tpu.vector_load_idx %arg10[%parallel_loop3A_186] : memref<8192xf32, #tpu.memory_space<vmem>>[vector<16xi32>], vector<16xf32>,
      %parallel_loop3A_188 = vector.broadcast %parallel_loop3A_169 : i32 to vector<16xi32>
      %parallel_loop3A_189 = arith.addi %parallel_loop3A_188, %get3A_46 : vector<16xi32>
      %parallel_loop3A_190 = tpu.vector_load_idx %arg10[%parallel_loop3A_189] : memref<8192xf32, #tpu.memory_space<vmem>>[vector<16xi32>], vector<16xf32>,
      %parallel_loop3A_191 = vector.broadcast %parallel_loop3A_169 : i32 to vector<16xi32>
      %parallel_loop3A_192 = arith.addi %parallel_loop3A_191, %get3A_48 : vector<16xi32>
      %parallel_loop3A_193 = tpu.vector_load_idx %arg10[%parallel_loop3A_192] : memref<8192xf32, #tpu.memory_space<vmem>>[vector<16xi32>], vector<16xf32>,
      %parallel_loop3A_194 = arith.constant 0 : i32
      %parallel_loop3A_195 = arith.addi %parallel_loop3A_169, %parallel_loop3A_194 : i32
      %parallel_loop3A_196 = arith.index_cast %parallel_loop3A_195 : i32 to index
      %parallel_loop3A_197 = tpu.vector_load %arg10[%parallel_loop3A_196] {strides = array<i32>} : memref<8192xf32, #tpu.memory_space<vmem>>, vector<16xf32>,
      tpu.vector_store %arg10[%parallel_loop3A_196], %parallel_loop3A_172 {strides = array<i32>} : memref<8192xf32, #tpu.memory_space<vmem>>, vector<16xf32>,
      %parallel_loop3A_198 = arith.constant 16 : i32
      %parallel_loop3A_199 = arith.addi %parallel_loop3A_169, %parallel_loop3A_198 : i32
      %parallel_loop3A_200 = arith.index_cast %parallel_loop3A_199 : i32 to index
      %parallel_loop3A_201 = tpu.vector_load %arg10[%parallel_loop3A_200] {strides = array<i32>} : memref<8192xf32, #tpu.memory_space<vmem>>, vector<16xf32>,
      tpu.vector_store %arg10[%parallel_loop3A_200], %parallel_loop3A_175 {strides = array<i32>} : memref<8192xf32, #tpu.memory_space<vmem>>, vector<16xf32>,
      %parallel_loop3A_202 = arith.constant 32 : i32
      %parallel_loop3A_203 = arith.addi %parallel_loop3A_169, %parallel_loop3A_202 : i32
      %parallel_loop3A_204 = arith.index_cast %parallel_loop3A_203 : i32 to index
      %parallel_loop3A_205 = tpu.vector_load %arg10[%parallel_loop3A_204] {strides = array<i32>} : memref<8192xf32, #tpu.memory_space<vmem>>, vector<16xf32>,
      tpu.vector_store %arg10[%parallel_loop3A_204], %parallel_loop3A_178 {strides = array<i32>} : memref<8192xf32, #tpu.memory_space<vmem>>, vector<16xf32>,
      %parallel_loop3A_206 = arith.constant 48 : i32
      %parallel_loop3A_207 = arith.addi %parallel_loop3A_169, %parallel_loop3A_206 : i32
      %parallel_loop3A_208 = arith.index_cast %parallel_loop3A_207 : i32 to index
      %parallel_loop3A_209 = tpu.vector_load %arg10[%parallel_loop3A_208] {strides = array<i32>} : memref<8192xf32, #tpu.memory_space<vmem>>, vector<16xf32>,
      tpu.vector_store %arg10[%parallel_loop3A_208], %parallel_loop3A_181 {strides = array<i32>} : memref<8192xf32, #tpu.memory_space<vmem>>, vector<16xf32>,
      %parallel_loop3A_210 = arith.constant 64 : i32
      %parallel_loop3A_211 = arith.addi %parallel_loop3A_169, %parallel_loop3A_210 : i32
      %parallel_loop3A_212 = arith.index_cast %parallel_loop3A_211 : i32 to index
      %parallel_loop3A_213 = tpu.vector_load %arg10[%parallel_loop3A_212] {strides = array<i32>} : memref<8192xf32, #tpu.memory_space<vmem>>, vector<16xf32>,
      tpu.vector_store %arg10[%parallel_loop3A_212], %parallel_loop3A_184 {strides = array<i32>} : memref<8192xf32, #tpu.memory_space<vmem>>, vector<16xf32>,
      %parallel_loop3A_214 = arith.constant 80 : i32
      %parallel_loop3A_215 = arith.addi %parallel_loop3A_169, %parallel_loop3A_214 : i32
      %parallel_loop3A_216 = arith.index_cast %parallel_loop3A_215 : i32 to index
      %parallel_loop3A_217 = tpu.vector_load %arg10[%parallel_loop3A_216] {strides = array<i32>} : memref<8192xf32, #tpu.memory_space<vmem>>, vector<16xf32>,
      tpu.vector_store %arg10[%parallel_loop3A_216], %parallel_loop3A_187 {strides = array<i32>} : memref<8192xf32, #tpu.memory_space<vmem>>, vector<16xf32>,
      %parallel_loop3A_218 = arith.constant 96 : i32
      %parallel_loop3A_219 = arith.addi %parallel_loop3A_169, %parallel_loop3A_218 : i32
      %parallel_loop3A_220 = arith.index_cast %parallel_loop3A_219 : i32 to index
      %parallel_loop3A_221 = tpu.vector_load %arg10[%parallel_loop3A_220] {strides = array<i32>} : memref<8192xf32, #tpu.memory_space<vmem>>, vector<16xf32>,
      tpu.vector_store %arg10[%parallel_loop3A_220], %parallel_loop3A_190 {strides = array<i32>} : memref<8192xf32, #tpu.memory_space<vmem>>, vector<16xf32>,
      %parallel_loop3A_222 = arith.constant 112 : i32
      %parallel_loop3A_223 = arith.addi %parallel_loop3A_169, %parallel_loop3A_222 : i32
      %parallel_loop3A_224 = arith.index_cast %parallel_loop3A_223 : i32 to index
      %parallel_loop3A_225 = tpu.vector_load %arg10[%parallel_loop3A_224] {strides = array<i32>} : memref<8192xf32, #tpu.memory_space<vmem>>, vector<16xf32>,
      tpu.vector_store %arg10[%parallel_loop3A_224], %parallel_loop3A_193 {strides = array<i32>} : memref<8192xf32, #tpu.memory_space<vmem>>, vector<16xf32>,
    } {sc.loop_unroll_factor = 4 : i64, sc.parallel_access}
    %add3A_109 = arith.constant 40960 : i32
    %add3A_110 = arith.addi %mul3A_2, %add3A_109 : i32
    %dma_start3A_111 = tpu.memref_slice %arg4[%add3A_110] : memref<2097152xf32, #tpu.memory_space<hbm>> -> memref<8192xf32, #tpu.memory_space<hbm>>
    %dma_start3A_112 = tpu.memref_slice %arg4[%add3A_110] : memref<2097152xf32, #tpu.memory_space<hbm>> -> memref<8192xf32, #tpu.memory_space<hbm>>
    tpu.enqueue_dma source(%arg10 : memref<8192xf32, #tpu.memory_space<vmem>>) target(%dma_start3A_112 : memref<8192xf32, #tpu.memory_space<hbm>>) target_semaphore(%arg27 : memref<!tpu.dma_semaphore, #tpu.memory_space<semaphore_mem>>)
    %add3A_113 = arith.constant 49152 : i32
    %add3A_114 = arith.addi %mul3A_2, %add3A_113 : i32
    %dma_wait3A_115 = tpu.memref_slice %arg2[%add3A_114] : memref<2097152xf32, #tpu.memory_space<hbm>> -> memref<8192xf32, #tpu.memory_space<hbm>>
    %dma_wait3A_116 = tpu.memref_slice %arg2[%add3A_114] : memref<2097152xf32, #tpu.memory_space<hbm>> -> memref<8192xf32, #tpu.memory_space<hbm>>
    tpu.wait_dma2 semaphore(%arg20 : memref<!tpu.dma_semaphore, #tpu.memory_space<semaphore_mem>>) src(%dma_wait3A_116 : memref<8192xf32, #tpu.memory_space<hbm>>) dst(%arg11 : memref<8192xf32, #tpu.memory_space<vmem>>)
    %parallel_loop3A_117 = arith.constant 0 : i32
    %parallel_loop3A_118 = arith.constant 64 : i32
    %parallel_loop3A_119 = arith.constant 1 : i32
    scf.for %parallel_loop3A_167 = %parallel_loop3A_117 to %parallel_loop3A_118 step %parallel_loop3A_119  : i32 {
      %parallel_loop3A_168 = arith.constant 128 : i32
      %parallel_loop3A_169 = arith.muli %parallel_loop3A_167, %parallel_loop3A_168 : i32
      %parallel_loop3A_170 = vector.broadcast %parallel_loop3A_169 : i32 to vector<16xi32>
      %parallel_loop3A_171 = arith.addi %parallel_loop3A_170, %get3A_34 : vector<16xi32>
      %parallel_loop3A_172 = tpu.vector_load_idx %arg11[%parallel_loop3A_171] : memref<8192xf32, #tpu.memory_space<vmem>>[vector<16xi32>], vector<16xf32>,
      %parallel_loop3A_173 = vector.broadcast %parallel_loop3A_169 : i32 to vector<16xi32>
      %parallel_loop3A_174 = arith.addi %parallel_loop3A_173, %get3A_36 : vector<16xi32>
      %parallel_loop3A_175 = tpu.vector_load_idx %arg11[%parallel_loop3A_174] : memref<8192xf32, #tpu.memory_space<vmem>>[vector<16xi32>], vector<16xf32>,
      %parallel_loop3A_176 = vector.broadcast %parallel_loop3A_169 : i32 to vector<16xi32>
      %parallel_loop3A_177 = arith.addi %parallel_loop3A_176, %get3A_38 : vector<16xi32>
      %parallel_loop3A_178 = tpu.vector_load_idx %arg11[%parallel_loop3A_177] : memref<8192xf32, #tpu.memory_space<vmem>>[vector<16xi32>], vector<16xf32>,
      %parallel_loop3A_179 = vector.broadcast %parallel_loop3A_169 : i32 to vector<16xi32>
      %parallel_loop3A_180 = arith.addi %parallel_loop3A_179, %get3A_40 : vector<16xi32>
      %parallel_loop3A_181 = tpu.vector_load_idx %arg11[%parallel_loop3A_180] : memref<8192xf32, #tpu.memory_space<vmem>>[vector<16xi32>], vector<16xf32>,
      %parallel_loop3A_182 = vector.broadcast %parallel_loop3A_169 : i32 to vector<16xi32>
      %parallel_loop3A_183 = arith.addi %parallel_loop3A_182, %get3A_42 : vector<16xi32>
      %parallel_loop3A_184 = tpu.vector_load_idx %arg11[%parallel_loop3A_183] : memref<8192xf32, #tpu.memory_space<vmem>>[vector<16xi32>], vector<16xf32>,
      %parallel_loop3A_185 = vector.broadcast %parallel_loop3A_169 : i32 to vector<16xi32>
      %parallel_loop3A_186 = arith.addi %parallel_loop3A_185, %get3A_44 : vector<16xi32>
      %parallel_loop3A_187 = tpu.vector_load_idx %arg11[%parallel_loop3A_186] : memref<8192xf32, #tpu.memory_space<vmem>>[vector<16xi32>], vector<16xf32>,
      %parallel_loop3A_188 = vector.broadcast %parallel_loop3A_169 : i32 to vector<16xi32>
      %parallel_loop3A_189 = arith.addi %parallel_loop3A_188, %get3A_46 : vector<16xi32>
      %parallel_loop3A_190 = tpu.vector_load_idx %arg11[%parallel_loop3A_189] : memref<8192xf32, #tpu.memory_space<vmem>>[vector<16xi32>], vector<16xf32>,
      %parallel_loop3A_191 = vector.broadcast %parallel_loop3A_169 : i32 to vector<16xi32>
      %parallel_loop3A_192 = arith.addi %parallel_loop3A_191, %get3A_48 : vector<16xi32>
      %parallel_loop3A_193 = tpu.vector_load_idx %arg11[%parallel_loop3A_192] : memref<8192xf32, #tpu.memory_space<vmem>>[vector<16xi32>], vector<16xf32>,
      %parallel_loop3A_194 = arith.constant 0 : i32
      %parallel_loop3A_195 = arith.addi %parallel_loop3A_169, %parallel_loop3A_194 : i32
      %parallel_loop3A_196 = arith.index_cast %parallel_loop3A_195 : i32 to index
      %parallel_loop3A_197 = tpu.vector_load %arg11[%parallel_loop3A_196] {strides = array<i32>} : memref<8192xf32, #tpu.memory_space<vmem>>, vector<16xf32>,
      tpu.vector_store %arg11[%parallel_loop3A_196], %parallel_loop3A_172 {strides = array<i32>} : memref<8192xf32, #tpu.memory_space<vmem>>, vector<16xf32>,
      %parallel_loop3A_198 = arith.constant 16 : i32
      %parallel_loop3A_199 = arith.addi %parallel_loop3A_169, %parallel_loop3A_198 : i32
      %parallel_loop3A_200 = arith.index_cast %parallel_loop3A_199 : i32 to index
      %parallel_loop3A_201 = tpu.vector_load %arg11[%parallel_loop3A_200] {strides = array<i32>} : memref<8192xf32, #tpu.memory_space<vmem>>, vector<16xf32>,
      tpu.vector_store %arg11[%parallel_loop3A_200], %parallel_loop3A_175 {strides = array<i32>} : memref<8192xf32, #tpu.memory_space<vmem>>, vector<16xf32>,
      %parallel_loop3A_202 = arith.constant 32 : i32
      %parallel_loop3A_203 = arith.addi %parallel_loop3A_169, %parallel_loop3A_202 : i32
      %parallel_loop3A_204 = arith.index_cast %parallel_loop3A_203 : i32 to index
      %parallel_loop3A_205 = tpu.vector_load %arg11[%parallel_loop3A_204] {strides = array<i32>} : memref<8192xf32, #tpu.memory_space<vmem>>, vector<16xf32>,
      tpu.vector_store %arg11[%parallel_loop3A_204], %parallel_loop3A_178 {strides = array<i32>} : memref<8192xf32, #tpu.memory_space<vmem>>, vector<16xf32>,
      %parallel_loop3A_206 = arith.constant 48 : i32
      %parallel_loop3A_207 = arith.addi %parallel_loop3A_169, %parallel_loop3A_206 : i32
      %parallel_loop3A_208 = arith.index_cast %parallel_loop3A_207 : i32 to index
      %parallel_loop3A_209 = tpu.vector_load %arg11[%parallel_loop3A_208] {strides = array<i32>} : memref<8192xf32, #tpu.memory_space<vmem>>, vector<16xf32>,
      tpu.vector_store %arg11[%parallel_loop3A_208], %parallel_loop3A_181 {strides = array<i32>} : memref<8192xf32, #tpu.memory_space<vmem>>, vector<16xf32>,
      %parallel_loop3A_210 = arith.constant 64 : i32
      %parallel_loop3A_211 = arith.addi %parallel_loop3A_169, %parallel_loop3A_210 : i32
      %parallel_loop3A_212 = arith.index_cast %parallel_loop3A_211 : i32 to index
      %parallel_loop3A_213 = tpu.vector_load %arg11[%parallel_loop3A_212] {strides = array<i32>} : memref<8192xf32, #tpu.memory_space<vmem>>, vector<16xf32>,
      tpu.vector_store %arg11[%parallel_loop3A_212], %parallel_loop3A_184 {strides = array<i32>} : memref<8192xf32, #tpu.memory_space<vmem>>, vector<16xf32>,
      %parallel_loop3A_214 = arith.constant 80 : i32
      %parallel_loop3A_215 = arith.addi %parallel_loop3A_169, %parallel_loop3A_214 : i32
      %parallel_loop3A_216 = arith.index_cast %parallel_loop3A_215 : i32 to index
      %parallel_loop3A_217 = tpu.vector_load %arg11[%parallel_loop3A_216] {strides = array<i32>} : memref<8192xf32, #tpu.memory_space<vmem>>, vector<16xf32>,
      tpu.vector_store %arg11[%parallel_loop3A_216], %parallel_loop3A_187 {strides = array<i32>} : memref<8192xf32, #tpu.memory_space<vmem>>, vector<16xf32>,
      %parallel_loop3A_218 = arith.constant 96 : i32
      %parallel_loop3A_219 = arith.addi %parallel_loop3A_169, %parallel_loop3A_218 : i32
      %parallel_loop3A_220 = arith.index_cast %parallel_loop3A_219 : i32 to index
      %parallel_loop3A_221 = tpu.vector_load %arg11[%parallel_loop3A_220] {strides = array<i32>} : memref<8192xf32, #tpu.memory_space<vmem>>, vector<16xf32>,
      tpu.vector_store %arg11[%parallel_loop3A_220], %parallel_loop3A_190 {strides = array<i32>} : memref<8192xf32, #tpu.memory_space<vmem>>, vector<16xf32>,
      %parallel_loop3A_222 = arith.constant 112 : i32
      %parallel_loop3A_223 = arith.addi %parallel_loop3A_169, %parallel_loop3A_222 : i32
      %parallel_loop3A_224 = arith.index_cast %parallel_loop3A_223 : i32 to index
      %parallel_loop3A_225 = tpu.vector_load %arg11[%parallel_loop3A_224] {strides = array<i32>} : memref<8192xf32, #tpu.memory_space<vmem>>, vector<16xf32>,
      tpu.vector_store %arg11[%parallel_loop3A_224], %parallel_loop3A_193 {strides = array<i32>} : memref<8192xf32, #tpu.memory_space<vmem>>, vector<16xf32>,
    } {sc.loop_unroll_factor = 4 : i64, sc.parallel_access}
    %add3A_120 = arith.constant 49152 : i32
    %add3A_121 = arith.addi %mul3A_2, %add3A_120 : i32
    %dma_start3A_122 = tpu.memref_slice %arg4[%add3A_121] : memref<2097152xf32, #tpu.memory_space<hbm>> -> memref<8192xf32, #tpu.memory_space<hbm>>
    %dma_start3A_123 = tpu.memref_slice %arg4[%add3A_121] : memref<2097152xf32, #tpu.memory_space<hbm>> -> memref<8192xf32, #tpu.memory_space<hbm>>
    tpu.enqueue_dma source(%arg11 : memref<8192xf32, #tpu.memory_space<vmem>>) target(%dma_start3A_123 : memref<8192xf32, #tpu.memory_space<hbm>>) target_semaphore(%arg28 : memref<!tpu.dma_semaphore, #tpu.memory_space<semaphore_mem>>)
    %add3A_124 = arith.constant 57344 : i32
    %add3A_125 = arith.addi %mul3A_2, %add3A_124 : i32
    %dma_wait3A_126 = tpu.memref_slice %arg2[%add3A_125] : memref<2097152xf32, #tpu.memory_space<hbm>> -> memref<8192xf32, #tpu.memory_space<hbm>>
    %dma_wait3A_127 = tpu.memref_slice %arg2[%add3A_125] : memref<2097152xf32, #tpu.memory_space<hbm>> -> memref<8192xf32, #tpu.memory_space<hbm>>
    tpu.wait_dma2 semaphore(%arg21 : memref<!tpu.dma_semaphore, #tpu.memory_space<semaphore_mem>>) src(%dma_wait3A_127 : memref<8192xf32, #tpu.memory_space<hbm>>) dst(%arg12 : memref<8192xf32, #tpu.memory_space<vmem>>)
    %parallel_loop3A_128 = arith.constant 0 : i32
    %parallel_loop3A_129 = arith.constant 64 : i32
    %parallel_loop3A_130 = arith.constant 1 : i32
    scf.for %parallel_loop3A_167 = %parallel_loop3A_128 to %parallel_loop3A_129 step %parallel_loop3A_130  : i32 {
      %parallel_loop3A_168 = arith.constant 128 : i32
      %parallel_loop3A_169 = arith.muli %parallel_loop3A_167, %parallel_loop3A_168 : i32
      %parallel_loop3A_170 = vector.broadcast %parallel_loop3A_169 : i32 to vector<16xi32>
      %parallel_loop3A_171 = arith.addi %parallel_loop3A_170, %get3A_34 : vector<16xi32>
      %parallel_loop3A_172 = tpu.vector_load_idx %arg12[%parallel_loop3A_171] : memref<8192xf32, #tpu.memory_space<vmem>>[vector<16xi32>], vector<16xf32>,
      %parallel_loop3A_173 = vector.broadcast %parallel_loop3A_169 : i32 to vector<16xi32>
      %parallel_loop3A_174 = arith.addi %parallel_loop3A_173, %get3A_36 : vector<16xi32>
      %parallel_loop3A_175 = tpu.vector_load_idx %arg12[%parallel_loop3A_174] : memref<8192xf32, #tpu.memory_space<vmem>>[vector<16xi32>], vector<16xf32>,
      %parallel_loop3A_176 = vector.broadcast %parallel_loop3A_169 : i32 to vector<16xi32>
      %parallel_loop3A_177 = arith.addi %parallel_loop3A_176, %get3A_38 : vector<16xi32>
      %parallel_loop3A_178 = tpu.vector_load_idx %arg12[%parallel_loop3A_177] : memref<8192xf32, #tpu.memory_space<vmem>>[vector<16xi32>], vector<16xf32>,
      %parallel_loop3A_179 = vector.broadcast %parallel_loop3A_169 : i32 to vector<16xi32>
      %parallel_loop3A_180 = arith.addi %parallel_loop3A_179, %get3A_40 : vector<16xi32>
      %parallel_loop3A_181 = tpu.vector_load_idx %arg12[%parallel_loop3A_180] : memref<8192xf32, #tpu.memory_space<vmem>>[vector<16xi32>], vector<16xf32>,
      %parallel_loop3A_182 = vector.broadcast %parallel_loop3A_169 : i32 to vector<16xi32>
      %parallel_loop3A_183 = arith.addi %parallel_loop3A_182, %get3A_42 : vector<16xi32>
      %parallel_loop3A_184 = tpu.vector_load_idx %arg12[%parallel_loop3A_183] : memref<8192xf32, #tpu.memory_space<vmem>>[vector<16xi32>], vector<16xf32>,
      %parallel_loop3A_185 = vector.broadcast %parallel_loop3A_169 : i32 to vector<16xi32>
      %parallel_loop3A_186 = arith.addi %parallel_loop3A_185, %get3A_44 : vector<16xi32>
      %parallel_loop3A_187 = tpu.vector_load_idx %arg12[%parallel_loop3A_186] : memref<8192xf32, #tpu.memory_space<vmem>>[vector<16xi32>], vector<16xf32>,
      %parallel_loop3A_188 = vector.broadcast %parallel_loop3A_169 : i32 to vector<16xi32>
      %parallel_loop3A_189 = arith.addi %parallel_loop3A_188, %get3A_46 : vector<16xi32>
      %parallel_loop3A_190 = tpu.vector_load_idx %arg12[%parallel_loop3A_189] : memref<8192xf32, #tpu.memory_space<vmem>>[vector<16xi32>], vector<16xf32>,
      %parallel_loop3A_191 = vector.broadcast %parallel_loop3A_169 : i32 to vector<16xi32>
      %parallel_loop3A_192 = arith.addi %parallel_loop3A_191, %get3A_48 : vector<16xi32>
      %parallel_loop3A_193 = tpu.vector_load_idx %arg12[%parallel_loop3A_192] : memref<8192xf32, #tpu.memory_space<vmem>>[vector<16xi32>], vector<16xf32>,
      %parallel_loop3A_194 = arith.constant 0 : i32
      %parallel_loop3A_195 = arith.addi %parallel_loop3A_169, %parallel_loop3A_194 : i32
      %parallel_loop3A_196 = arith.index_cast %parallel_loop3A_195 : i32 to index
      %parallel_loop3A_197 = tpu.vector_load %arg12[%parallel_loop3A_196] {strides = array<i32>} : memref<8192xf32, #tpu.memory_space<vmem>>, vector<16xf32>,
      tpu.vector_store %arg12[%parallel_loop3A_196], %parallel_loop3A_172 {strides = array<i32>} : memref<8192xf32, #tpu.memory_space<vmem>>, vector<16xf32>,
      %parallel_loop3A_198 = arith.constant 16 : i32
      %parallel_loop3A_199 = arith.addi %parallel_loop3A_169, %parallel_loop3A_198 : i32
      %parallel_loop3A_200 = arith.index_cast %parallel_loop3A_199 : i32 to index
      %parallel_loop3A_201 = tpu.vector_load %arg12[%parallel_loop3A_200] {strides = array<i32>} : memref<8192xf32, #tpu.memory_space<vmem>>, vector<16xf32>,
      tpu.vector_store %arg12[%parallel_loop3A_200], %parallel_loop3A_175 {strides = array<i32>} : memref<8192xf32, #tpu.memory_space<vmem>>, vector<16xf32>,
      %parallel_loop3A_202 = arith.constant 32 : i32
      %parallel_loop3A_203 = arith.addi %parallel_loop3A_169, %parallel_loop3A_202 : i32
      %parallel_loop3A_204 = arith.index_cast %parallel_loop3A_203 : i32 to index
      %parallel_loop3A_205 = tpu.vector_load %arg12[%parallel_loop3A_204] {strides = array<i32>} : memref<8192xf32, #tpu.memory_space<vmem>>, vector<16xf32>,
      tpu.vector_store %arg12[%parallel_loop3A_204], %parallel_loop3A_178 {strides = array<i32>} : memref<8192xf32, #tpu.memory_space<vmem>>, vector<16xf32>,
      %parallel_loop3A_206 = arith.constant 48 : i32
      %parallel_loop3A_207 = arith.addi %parallel_loop3A_169, %parallel_loop3A_206 : i32
      %parallel_loop3A_208 = arith.index_cast %parallel_loop3A_207 : i32 to index
      %parallel_loop3A_209 = tpu.vector_load %arg12[%parallel_loop3A_208] {strides = array<i32>} : memref<8192xf32, #tpu.memory_space<vmem>>, vector<16xf32>,
      tpu.vector_store %arg12[%parallel_loop3A_208], %parallel_loop3A_181 {strides = array<i32>} : memref<8192xf32, #tpu.memory_space<vmem>>, vector<16xf32>,
      %parallel_loop3A_210 = arith.constant 64 : i32
      %parallel_loop3A_211 = arith.addi %parallel_loop3A_169, %parallel_loop3A_210 : i32
      %parallel_loop3A_212 = arith.index_cast %parallel_loop3A_211 : i32 to index
      %parallel_loop3A_213 = tpu.vector_load %arg12[%parallel_loop3A_212] {strides = array<i32>} : memref<8192xf32, #tpu.memory_space<vmem>>, vector<16xf32>,
      tpu.vector_store %arg12[%parallel_loop3A_212], %parallel_loop3A_184 {strides = array<i32>} : memref<8192xf32, #tpu.memory_space<vmem>>, vector<16xf32>,
      %parallel_loop3A_214 = arith.constant 80 : i32
      %parallel_loop3A_215 = arith.addi %parallel_loop3A_169, %parallel_loop3A_214 : i32
      %parallel_loop3A_216 = arith.index_cast %parallel_loop3A_215 : i32 to index
      %parallel_loop3A_217 = tpu.vector_load %arg12[%parallel_loop3A_216] {strides = array<i32>} : memref<8192xf32, #tpu.memory_space<vmem>>, vector<16xf32>,
      tpu.vector_store %arg12[%parallel_loop3A_216], %parallel_loop3A_187 {strides = array<i32>} : memref<8192xf32, #tpu.memory_space<vmem>>, vector<16xf32>,
      %parallel_loop3A_218 = arith.constant 96 : i32
      %parallel_loop3A_219 = arith.addi %parallel_loop3A_169, %parallel_loop3A_218 : i32
      %parallel_loop3A_220 = arith.index_cast %parallel_loop3A_219 : i32 to index
      %parallel_loop3A_221 = tpu.vector_load %arg12[%parallel_loop3A_220] {strides = array<i32>} : memref<8192xf32, #tpu.memory_space<vmem>>, vector<16xf32>,
      tpu.vector_store %arg12[%parallel_loop3A_220], %parallel_loop3A_190 {strides = array<i32>} : memref<8192xf32, #tpu.memory_space<vmem>>, vector<16xf32>,
      %parallel_loop3A_222 = arith.constant 112 : i32
      %parallel_loop3A_223 = arith.addi %parallel_loop3A_169, %parallel_loop3A_222 : i32
      %parallel_loop3A_224 = arith.index_cast %parallel_loop3A_223 : i32 to index
      %parallel_loop3A_225 = tpu.vector_load %arg12[%parallel_loop3A_224] {strides = array<i32>} : memref<8192xf32, #tpu.memory_space<vmem>>, vector<16xf32>,
      tpu.vector_store %arg12[%parallel_loop3A_224], %parallel_loop3A_193 {strides = array<i32>} : memref<8192xf32, #tpu.memory_space<vmem>>, vector<16xf32>,
    } {sc.loop_unroll_factor = 4 : i64, sc.parallel_access}
    %add3A_131 = arith.constant 57344 : i32
    %add3A_132 = arith.addi %mul3A_2, %add3A_131 : i32
    %dma_start3A_133 = tpu.memref_slice %arg4[%add3A_132] : memref<2097152xf32, #tpu.memory_space<hbm>> -> memref<8192xf32, #tpu.memory_space<hbm>>
    %dma_start3A_134 = tpu.memref_slice %arg4[%add3A_132] : memref<2097152xf32, #tpu.memory_space<hbm>> -> memref<8192xf32, #tpu.memory_space<hbm>>
    tpu.enqueue_dma source(%arg12 : memref<8192xf32, #tpu.memory_space<vmem>>) target(%dma_start3A_134 : memref<8192xf32, #tpu.memory_space<hbm>>) target_semaphore(%arg29 : memref<!tpu.dma_semaphore, #tpu.memory_space<semaphore_mem>>)
    %add3A_135 = arith.constant 0 : i32
    %add3A_136 = arith.addi %mul3A_2, %add3A_135 : i32
    %dma_wait3A_137 = tpu.memref_slice %arg4[%add3A_136] : memref<2097152xf32, #tpu.memory_space<hbm>> -> memref<8192xf32, #tpu.memory_space<hbm>>
    %dma_wait3A_138 = tpu.memref_slice %arg4[%add3A_136] : memref<2097152xf32, #tpu.memory_space<hbm>> -> memref<8192xf32, #tpu.memory_space<hbm>>
    tpu.wait_dma2 semaphore(%arg22 : memref<!tpu.dma_semaphore, #tpu.memory_space<semaphore_mem>>) src(%arg5 : memref<8192xf32, #tpu.memory_space<vmem>>) dst(%dma_wait3A_138 : memref<8192xf32, #tpu.memory_space<hbm>>)
    %add3A_139 = arith.constant 8192 : i32
    %add3A_140 = arith.addi %mul3A_2, %add3A_139 : i32
    %dma_wait3A_141 = tpu.memref_slice %arg4[%add3A_140] : memref<2097152xf32, #tpu.memory_space<hbm>> -> memref<8192xf32, #tpu.memory_space<hbm>>
    %dma_wait3A_142 = tpu.memref_slice %arg4[%add3A_140] : memref<2097152xf32, #tpu.memory_space<hbm>> -> memref<8192xf32, #tpu.memory_space<hbm>>
    tpu.wait_dma2 semaphore(%arg23 : memref<!tpu.dma_semaphore, #tpu.memory_space<semaphore_mem>>) src(%arg6 : memref<8192xf32, #tpu.memory_space<vmem>>) dst(%dma_wait3A_142 : memref<8192xf32, #tpu.memory_space<hbm>>)
    %add3A_143 = arith.constant 16384 : i32
    %add3A_144 = arith.addi %mul3A_2, %add3A_143 : i32
    %dma_wait3A_145 = tpu.memref_slice %arg4[%add3A_144] : memref<2097152xf32, #tpu.memory_space<hbm>> -> memref<8192xf32, #tpu.memory_space<hbm>>
    %dma_wait3A_146 = tpu.memref_slice %arg4[%add3A_144] : memref<2097152xf32, #tpu.memory_space<hbm>> -> memref<8192xf32, #tpu.memory_space<hbm>>
    tpu.wait_dma2 semaphore(%arg24 : memref<!tpu.dma_semaphore, #tpu.memory_space<semaphore_mem>>) src(%arg7 : memref<8192xf32, #tpu.memory_space<vmem>>) dst(%dma_wait3A_146 : memref<8192xf32, #tpu.memory_space<hbm>>)
    %add3A_147 = arith.constant 24576 : i32
    %add3A_148 = arith.addi %mul3A_2, %add3A_147 : i32
    %dma_wait3A_149 = tpu.memref_slice %arg4[%add3A_148] : memref<2097152xf32, #tpu.memory_space<hbm>> -> memref<8192xf32, #tpu.memory_space<hbm>>
    %dma_wait3A_150 = tpu.memref_slice %arg4[%add3A_148] : memref<2097152xf32, #tpu.memory_space<hbm>> -> memref<8192xf32, #tpu.memory_space<hbm>>
    tpu.wait_dma2 semaphore(%arg25 : memref<!tpu.dma_semaphore, #tpu.memory_space<semaphore_mem>>) src(%arg8 : memref<8192xf32, #tpu.memory_space<vmem>>) dst(%dma_wait3A_150 : memref<8192xf32, #tpu.memory_space<hbm>>)
    %add3A_151 = arith.constant 32768 : i32
    %add3A_152 = arith.addi %mul3A_2, %add3A_151 : i32
    %dma_wait3A_153 = tpu.memref_slice %arg4[%add3A_152] : memref<2097152xf32, #tpu.memory_space<hbm>> -> memref<8192xf32, #tpu.memory_space<hbm>>
    %dma_wait3A_154 = tpu.memref_slice %arg4[%add3A_152] : memref<2097152xf32, #tpu.memory_space<hbm>> -> memref<8192xf32, #tpu.memory_space<hbm>>
    tpu.wait_dma2 semaphore(%arg26 : memref<!tpu.dma_semaphore, #tpu.memory_space<semaphore_mem>>) src(%arg9 : memref<8192xf32, #tpu.memory_space<vmem>>) dst(%dma_wait3A_154 : memref<8192xf32, #tpu.memory_space<hbm>>)
    %add3A_155 = arith.constant 40960 : i32
    %add3A_156 = arith.addi %mul3A_2, %add3A_155 : i32
    %dma_wait3A_157 = tpu.memref_slice %arg4[%add3A_156] : memref<2097152xf32, #tpu.memory_space<hbm>> -> memref<8192xf32, #tpu.memory_space<hbm>>
    %dma_wait3A_158 = tpu.memref_slice %arg4[%add3A_156] : memref<2097152xf32, #tpu.memory_space<hbm>> -> memref<8192xf32, #tpu.memory_space<hbm>>
    tpu.wait_dma2 semaphore(%arg27 : memref<!tpu.dma_semaphore, #tpu.memory_space<semaphore_mem>>) src(%arg10 : memref<8192xf32, #tpu.memory_space<vmem>>) dst(%dma_wait3A_158 : memref<8192xf32, #tpu.memory_space<hbm>>)
    %add3A_159 = arith.constant 49152 : i32
    %add3A_160 = arith.addi %mul3A_2, %add3A_159 : i32
    %dma_wait3A_161 = tpu.memref_slice %arg4[%add3A_160] : memref<2097152xf32, #tpu.memory_space<hbm>> -> memref<8192xf32, #tpu.memory_space<hbm>>
    %dma_wait3A_162 = tpu.memref_slice %arg4[%add3A_160] : memref<2097152xf32, #tpu.memory_space<hbm>> -> memref<8192xf32, #tpu.memory_space<hbm>>
    tpu.wait_dma2 semaphore(%arg28 : memref<!tpu.dma_semaphore, #tpu.memory_space<semaphore_mem>>) src(%arg11 : memref<8192xf32, #tpu.memory_space<vmem>>) dst(%dma_wait3A_162 : memref<8192xf32, #tpu.memory_space<hbm>>)
    %add3A_163 = arith.constant 57344 : i32
    %add3A_164 = arith.addi %mul3A_2, %add3A_163 : i32
    %dma_wait3A_165 = tpu.memref_slice %arg4[%add3A_164] : memref<2097152xf32, #tpu.memory_space<hbm>> -> memref<8192xf32, #tpu.memory_space<hbm>>
    %dma_wait3A_166 = tpu.memref_slice %arg4[%add3A_164] : memref<2097152xf32, #tpu.memory_space<hbm>> -> memref<8192xf32, #tpu.memory_space<hbm>>
    tpu.wait_dma2 semaphore(%arg29 : memref<!tpu.dma_semaphore, #tpu.memory_space<semaphore_mem>>) src(%arg12 : memref<8192xf32, #tpu.memory_space<vmem>>) dst(%dma_wait3A_166 : memref<8192xf32, #tpu.memory_space<hbm>>)
    return
  }
}

</mosaic_0001>

<sc_bundles>
// kernel: kernel.3.cloned.1.call-start
scs
__scs_entry_jumppad:
0x0: {  	(pc) =	sbr.rel $0x88, $3  }
0x1: {  	(tag) =	ssettag $0x0;
	lr =	simm.s32 $0x1  }
0x2: {  	[smem:$0x3F9F] =	sst lr;
	_ =	strace $0xD0000000  }
0x3: {  	_ = 	snop  }
0x4: {  	_ = 	snop  }
0x5: {  	_ = 	snop  }
0x6: {  	_ = 	snop  }
0x7: {  	_ = 	snop  }
__scs_overlays_trampoline_lowered:
0x8: {  	[smem:$0x3FAE] =	sst s0  }
0x9: {  	[smem:$0x3FAF] =	sst s1  }
0xa: {  	[smem:$0x3FB0] =	sst s2  }
0xb: {  	[smem:$0x3FB1] =	sst s3  }
0xc: {  	[smem:$0x3FB2] =	sst s4  }
0xd: {  	[smem:$0x3FB3] =	sst s5  }
0xe: {  	[smem:$0x3FB4] =	sst s6  }
0xf: {  	[smem:$0x3FB5] =	sst s7  }
0x10: {  	[smem:$0x3FB6] =	sst s8  }
0x11: {  	[smem:$0x3FB7] =	sst s9;
	s0 =	simm.s32 @!p0 $0x0  }
0x12: {  	s1 =	sld [smem:$0x3F9D];
	s0 =	simm.s32 @p0 $0x1  }
0x13: {  	[smem:$0x3FB8] =	sst s0;
	s0 =	simm.s32 @!p1 $0x0  }
0x14: {  	s2 =	sld [smem:$0x3F9C];
	s0 =	simm.s32 @p1 $0x1  }
0x15: {  	[smem:$0x3FB9] =	sst s0;
	s0 =	simm.s32 @!p2 $0x0  }
0x16: {  	s3 =	sld [smem:$0x3FDB];
	s0 =	simm.s32 @p2 $0x1  }
0x17: {  	s4 =	simm.s32 $0x1BF5;
	[smem:$0x3FBB] =	sst s0  }
0x18: {  	s0 =	sld [smem:$0x3F9E];
	_ =	swait.ge [sflag:s4], $0x0  }
0x19: {  	s7 =	sld [smem:$0x3F9F]  }
0x1a: {  	s8 =	sadd.s32 $0xFFFFE003, lr  }
0x1b: {  	s9 =	sadd.s32 $0xFFFFFEF7, lr;
	s5 =	simm.s32 $0xFFFFFFFF;
	p2 =	slt.u32 s8, $0xFFFFF086  }
0x1c: {  	p1 =	slt.u32 s9, $0xF7A;
	s5 =	simm.s32 @!p2 $0x0  }
0x1d: {  	s5 =	simm.s32 @p1 $0x1;
	p0 =	seq.s32 s7, s2  }
0x1e: {  	s7 =	smul.u32 @!p0 $0xF7A, s2;
	p2 =	seq.s32 @!p0 s5, $0x0  }
0x1f: {  	s9 =	smul.u32 $0xF7A, s1;
	s8 =	simm.s32 @!p0 $0x1BF5;
	p2 =	por !p2, p0  }
0x20: {  	[sflag:s8] =	ssyncset.s32 @!p0 $0xFFFFF086;
	s6 =	sadd.s32 @!p0 s3, s7;
	s7 =	simm.s32 @!p0 $0x108  }
0x21: {  	s3 =	sadd.s32 s3, s9;
	s6 =	sadd.s32 @!p0 $0x88, s6;
	s7 =	simm.s32 @p2 $0x1082  }
0x22: {  	[simem:s7], [sflag:s8] =	dma.local @!p0 [hbm:s6], $0xF7A  }
0x23: {  	s9 =	sor.u32 $0xD0000000, s2;
	s6 =	simm.s32 $0x108;
	_ =	swait.ge @!p0 [sflag:s8], $0x0  }
0x24: {  	s3 =	sadd.s32 $0x88, s3;
	s6 =	simm.s32 @!p1 $0x1082;
	[sflag:s4] =	ssyncset.s32 $0xFFFFF086  }
0x25: {  	[simem:s6], [sflag:s4] =	dma.local [hbm:s3], $0xF7A  }
0x26: {  	[smem:$0x3F9F] =	sst s1;
	(tag) =	ssettag s2;
	_ =	strace s9  }
0x27: {  	s1 =	sld [smem:$0x3FAF]  }
0x28: {  	s2 =	sld [smem:$0x3FB0]  }
0x29: {  	s4 =	sld [smem:$0x3FB2]  }
0x2a: {  	p0 =	seq.s32 s5, $0x0;
	s5 =	sld [smem:$0x3FB3]  }
0x2b: {  	s6 =	sld [smem:$0x3FB4]  }
0x2c: {  	s7 =	sld [smem:$0x3FB5]  }
0x2d: {  	s3 =	simm.s32 $0x108;
	s8 =	sld [smem:$0x3FB6]  }
0x2e: {  	s3 =	simm.s32 @!p0 $0x1082;
	s9 =	sld [smem:$0x3FB7]  }
0x2f: {  	lr =	sadd.s32 s0, s3;
	s0 =	sld [smem:$0x3FAE]  }
0x30: {  	s3 =	sld [smem:$0x3FB1]  }
0x31: {  	[smem:$0x3FBA] =	sst s10  }
0x32: {  	s10 =	sld [smem:$0x3FB8];
	_ =	sdelay $0x3  }
0x33: {  	p0 =	seq.s32 s10, $0x1;
	s10 =	sld [smem:$0x3FBA];
	_ =	sdelay $0x3  }
0x34: {  	[smem:$0x3FBA] =	sst s10  }
0x35: {  	s10 =	sld [smem:$0x3FB9];
	_ =	sdelay $0x3  }
0x36: {  	p1 =	seq.s32 s10, $0x1;
	s10 =	sld [smem:$0x3FBA];
	_ =	sdelay $0x3  }
0x37: {  	[smem:$0x3FBA] =	sst s10  }
0x38: {  	s10 =	sld [smem:$0x3FBB]  }
0x39: {  	_ = 	snop;
	(pc) =	sbr.ind lr, $3  }
0x3a: {  	_ = 	snop  }
0x3b: {  	_ = 	snop  }
0x3c: {  	p2 =	seq.s32 s10, $0x1;
	s10 =	sld [smem:$0x3FBA]  }
0x3d: {  	_ =	shalt  }
0x3e: {  	_ =	shalt  }
0x3f: {  	_ =	shalt  }
0x40: {  	_ =	shalt  }
0x41: {  	_ =	shalt  }
0x42: {  	_ =	shalt  }
0x43: {  	_ =	shalt  }
0x44: {  	_ =	shalt  }
0x45: {  	_ =	shalt  }
0x46: {  	_ =	shalt  }
0x47: {  	_ =	shalt  }
0x48: {  	_ =	shalt  }
0x49: {  	_ =	shalt  }
0x4a: {  	_ =	shalt  }
0x4b: {  	_ =	shalt  }
0x4c: {  	_ =	shalt  }
0x4d: {  	_ =	shalt  }
0x4e: {  	_ =	shalt  }
0x4f: {  	_ =	shalt  }
0x50: {  	_ =	shalt  }
0x51: {  	_ =	shalt  }
0x52: {  	_ =	shalt  }
0x53: {  	_ =	shalt  }
0x54: {  	_ =	shalt  }
0x55: {  	_ =	shalt  }
0x56: {  	_ =	shalt  }
0x57: {  	_ =	shalt  }
0x58: {  	_ =	shalt  }
0x59: {  	_ =	shalt  }
0x5a: {  	_ =	shalt  }
0x5b: {  	_ =	shalt  }
0x5c: {  	_ =	shalt  }
0x5d: {  	_ =	shalt  }
0x5e: {  	_ =	shalt  }
0x5f: {  	_ =	shalt  }
0x60: {  	_ =	shalt  }
0x61: {  	_ =	shalt  }
0x62: {  	_ =	shalt  }
0x63: {  	_ =	shalt  }
0x64: {  	_ =	shalt  }
0x65: {  	_ =	shalt  }
0x66: {  	_ =	shalt  }
0x67: {  	_ =	shalt  }
0x68: {  	_ =	shalt  }
0x69: {  	_ =	shalt  }
0x6a: {  	_ =	shalt  }
0x6b: {  	_ =	shalt  }
0x6c: {  	_ =	shalt  }
0x6d: {  	_ =	shalt  }
0x6e: {  	_ =	shalt  }
0x6f: {  	_ =	shalt  }
0x70: {  	_ =	shalt  }
0x71: {  	_ =	shalt  }
0x72: {  	_ =	shalt  }
0x73: {  	_ =	shalt  }
0x74: {  	_ =	shalt  }
0x75: {  	_ =	shalt  }
0x76: {  	_ =	shalt  }
0x77: {  	_ =	shalt  }
0x78: {  	_ =	shalt  }
0x79: {  	_ =	shalt  }
0x7a: {  	_ =	shalt  }
0x7b: {  	_ =	shalt  }
0x7c: {  	_ =	shalt  }
0x7d: {  	_ =	shalt  }
0x7e: {  	_ =	shalt  }
0x7f: {  	_ =	shalt  }
0x80: {  	_ =	shalt  }
0x81: {  	_ =	shalt  }
0x82: {  	_ =	shalt  }
0x83: {  	_ =	shalt  }
0x84: {  	_ =	shalt  }
0x85: {  	_ =	shalt  }
0x86: {  	_ =	shalt  }
0x87: {  	_ =	shalt  }
.Lfunc_end0:
.L_simem_size_0:
called_computation_lowered:
.L_overlay_start_0:
0x88: {  	s2 =	sld [smem:$0x3FD9]  }
0x89: {  	s3 =	sld [smem:$0x3FFE];
	_ =	sdelay $0x1  }
0x8a: {  	s1 =	srdreg.scid  }
0x8b: {  	s0 =	sand.u32 $0x1, s1  }
0x8c: {  	s18 =	sshll.u32 s0, $0xA;
	s2 =	sadd.s32 s3, s2  }
0x8d: {  	s2 =	sadd.s32 s2, s18  }
0x8e: {  	[smem:$0x3FC6] =	sst s2  }
0x8f: {  	_ = 	snop  }
0x90: {  	s2 =	sld [smem:$0x3FC9]  }
0x91: {  	s19 =	sld [smem:$0x3FC8]  }
0x92: {  	s4 =	sld [smem:$0x3FD0];
	(tm) =	ssettm $0x1  }
0x93: {  	s5 =	sld [smem:$0x3FFB];
	_ =	sdelay $0x3  }
0x94: {  	_ =	strace s5  }
0x95: {  	s5 =	sld [smem:$0x3FFC];
	_ =	sdelay $0x3  }
0x96: {  	_ =	strace s5  }
0x97: {  	s5 =	sld [smem:$0x3FFD];
	_ =	sdelay $0x3  }
0x98: {  	_ =	strace s5  }
0x99: {  	_ =	strace $0x8FFFFFFF  }
0x9a: {  	s20 =	sld [smem:$0x3FDB];
	_ =	sdelay $0x1  }
0x9b: {  	s6 =	simm.s32 $_scs_section_size  }
0x9c: {  	s7 =	simm.s32 $_size__tile_overlayer_lowered;
	s8 =	simm.s32 $_tile_overlayer_lowered  }
0x9d: {  	s23 =	simm.s32 $0x1BFF;
	s22 =	sshll.u32 s8, $0x1;
	s5 =	sadd.s32 s6, s20  }
0x9e: {  	s9 =	simm.s32 $0x0;
	s21 =	sshll.u32 s7, $0x1;
	s7 =	sadd.s32 s22, s5  }
0x9f: {  	[timem:s9], [sflag:s23] =	dma.local [hbm:s7], s21  }
0xa0: {  	_ =	swait.ge [sflag:s23], s21  }
0xa1: {  	s6 =	ssub.s32 $0x0, s21;
	[sflag:s23] =	ssyncset.done $0x0  }
0xa2: {  	[sflag:s23] =	ssyncadd.s32 s6;
	_ =	sdelay $0x1  }
0xa3: {  	s24 =	simm.s32 $0x1B8B  }
0xa4: {  	_ =	swait.ge [sflag:s24], $0x1  }
0xa5: {  	[sflag:s24] =	ssyncset.done $0x0  }
0xa6: {  	s25 =	simm.s32 $0x1B8E;
	[sflag:s24] =	ssyncadd.s32 $0xFFFFFFFF  }
0xa7: {  	s26 =	simm.s32 $execute0_lowered;
	[smem:$0x3FD2] =	sst s25  }
0xa8: {  	s6 =	sshll.u32 s26, $0x1;
	_ =	strace $0x80000046;
	[dreg:$0x1] =	wrdreg $0xFFFFFFFF  }
0xa9: {  	s28 =	simm.s32 $_size_execute0_lowered;
	s5 =	sadd.s32 s5, s6;
	[dreg:$0x0] =	wrdreg $0x0  }
0xaa: {  	s6 =	sshll.u32 s28, $0x1;
	[dreg:$0x2] =	wrdreg s5  }
0xab: {  	[dreg:$0x3] =	wrdreg s6  }
0xac: {  	[dreg:$0x4] =	wrdreg $0xC0  }
0xad: {  	_ =	task [dreg:s9], $0x5FFFF  }
0xae: {  	[dreg:$0x1] =	wrdreg $0xFFFFFFFF  }
0xaf: {  	[dreg:$0x0] =	wrdreg $0x60  }
0xb0: {  	[dreg:$0x2] =	wrdreg s2  }
0xb1: {  	[dreg:$0x3] =	wrdreg s19  }
0xb2: {  	[dreg:$0x4] =	wrdreg s4  }
0xb3: {  	[dreg:$0x5] =	wrdreg $0x9  }
0xb4: {  	_ =	task.clear_ibuf [dreg:s9], $0x6FFFF;
	_ =	strace $0x90000046  }
0xb5: {  	s29 =	simm.s32 $0x9;
	_ =	strace $0x80000048  }
0xb6: {  	_ =	swait.ge [sflag:s29], $0x1  }
0xb7: {  	[sflag:s29] =	ssyncadd.s32 $0xFFFFFFFF  }
0xb8: {  	_ =	strace $0x90000048  }
0xb9: {  	_ =	sfence  }
0xba: {  	s30 =	sld [smem:$0x0];
	_ =	sdelay $0x2  }
0xbb: {  	s31 =	sshll.u32 s1, $0xD;
	s1 =	sshrl.u32 s1, $0x2  }
0xbc: {  	s3 =	sand.u32 $0x4000, s31;
	s1 =	sadd.s32 s1, s30  }
0xbd: {  	s0 =	sor.u32 s3, s0;
	s1 =	sshll.u32 s1, $0x11  }
0xbe: {  	s0 =	sor.u32 s1, s0  }
0xbf: {  	s0 =	sadd.s32 $0x8F2B, s0  }
0xc0: {  	[sflag:s0] =	ssyncadd.remote.s32 $0x1  }
0xc1: {  	_ =	sfence.sel $0xFFFF  }
0xc2: {  	[dreg:$0x0] =	wrdreg $0xFFFFFFFF;
	(pc) =	sbr.abs _section_cstart, $3  }
0xc3: {  	[dreg:$0x1] =	wrdreg $0xFFFFFFFF  }
0xc4: {  	_ =	task.clear_ibuf [dreg:s9], $0x2FFFF;
	_ =	strace $0x9FFFFFFF  }
0xc5: {  	(tm) =	ssettm $0x7FFFFFFF  }
tec
execute0_lowered:
.L_overlay_start_1:
0x0: {  	(tag) =	ssettag $0x1  }
0x1: {  	s0 =	rddreg [dreg:$0x0]  }
0x2: {  	s1 =	rddreg [dreg:$0x2];
	s3 =	simm.s32 $0x0;
	s2 =	srdreg.scid  }
0x3: {  	s5 =	stileid.u32;
	s28 =	simm.s32 $0xE000;
	s2 =	sand.u32 $0x1, s2  }
0x4: {  	s5 =	sshll.u32 s5, $0xE;
	s4 =	ssub.s32 $0x2, s2;
	s2 =	sshll.u32 s2, $0xD  }
0x5: {  	s31 =	simm.s32 $0x1;
	[smem:$0x7FF] =	sst s3;
	s2 =	sor.u32 s2, s5  }
0x6: {  	s29 =	simm.s32 $0x5;
	_ =	strace $0x80000047;
	s5 =	sadd.s32 s0, s2  }
0x7: {  	s30 =	sor.u32 $0x400, s2;
	s19 =	sadd.s32 s1, s2;
	[dreg:$0x4] =	wrdreg s5  }
0x8: {  	s13 =	sor.u32 $0x800, s2;
	s12 =	sadd.s32 s0, s30;
	[dreg:$0xc] =	wrdreg s19  }
0x9: {  	s7 =	sor.u32 $0xC00, s2;
	s8 =	sadd.s32 s0, s13;
	[dreg:$0x5] =	wrdreg s12  }
0xa: {  	s15 =	sor.u32 $0x1000, s2;
	s14 =	sadd.s32 s0, s7;
	[dreg:$0x6] =	wrdreg s8  }
0xb: {  	s16 =	sor.u32 $0x1400, s2;
	s9 =	sadd.s32 s0, s15;
	[dreg:$0x7] =	wrdreg s14  }
0xc: {  	s10 =	sor.u32 $0x1800, s2;
	s11 =	sadd.s32 s0, s16;
	[dreg:$0x8] =	wrdreg s9  }
0xd: {  	s18 =	sor.u32 $0x1C00, s2;
	s17 =	sadd.s32 s0, s10;
	[dreg:$0x9] =	wrdreg s11  }
0xe: {  	s6 =	sshrl.u32 s4, $0x1;
	s0 =	sadd.s32 s0, s18;
	[dreg:$0xa] =	wrdreg s17  }
0xf: {  	s4 =	ssub.s32 s4, s6;
	s20 =	sadd.s32 s1, s30;
	[dreg:$0xb] =	wrdreg s0  }
0x10: {  	s2 =	simm.s32 $0x3;
	s21 =	sadd.s32 s1, s13;
	[dreg:$0xd] =	wrdreg s20  }
0x11: {  	s6 =	simm.s32 $0x8;
	s22 =	sadd.s32 s1, s7;
	[dreg:$0xe] =	wrdreg s21  }
0x12: {  	s23 =	sadd.s32 s1, s15;
	s24 =	sadd.s32 s1, s16;
	[dreg:$0xf] =	wrdreg s22  }
0x13: {  	s25 =	sadd.s32 s1, s10;
	s26 =	sadd.s32 s1, s18;
	[dreg:$0x10] =	wrdreg s23  }
0x14: {  	s30 =	smax.u32 s4, $0x1;
	s1 =	simm.s32 $0x4;
	[dreg:$0x11] =	wrdreg s24  }
0x15: {  	s4 =	simm.s32 $0x6;
	s5 =	simm.s32 $0x7;
	[dreg:$0x12] =	wrdreg s25  }
0x16: {  	s7 =	simm.s32 $0x9;
	s10 =	simm.s32 $0xC;
	[dreg:$0x13] =	wrdreg s26  }
0x17: {  	s13 =	simm.s32 $0xF;
	s15 =	simm.s32 $0x0;
	[dreg:$0x14] =	wrdreg s30  }
0x18: {  	s21 =	simm.s32 $0x2000;
	s22 =	simm.s32 $0x4000;
	s23 =	simm.s32 $0x6000  }
0x19: {  	s24 =	simm.s32 $0x8000;
	s25 =	simm.s32 $0xA000;
	s26 =	simm.s32 $0xC000  }
0x1a: {  	s0 =	simm.s32 $0x2;
	s8 =	simm.s32 $0xA;
	s9 =	simm.s32 $0xB  }
0x1b: {  	s11 =	simm.s32 $0xD;
	s12 =	simm.s32 $0xE;
	s14 =	simm.s32 $0x10  }
.LBB2_1:
0x1c: {  	s16 =	rddreg [dreg:$0x4]  }
0x1d: {  	[tilespmem:s3], [sflag:$0x1] =	stream.linear.gather [hbm4b:s16+s3], $0x2000, $0x38;
	[tilespmem:$0x10080] =	vst v63  }
0x1e: {  	s30 =	rddreg [dreg:$0x5]  }
0x1f: {  	[tilespmem:s21], [sflag:$0x2] =	stream.linear.gather [hbm4b:s30+s3], $0x2000, $0x38;
	[tilespmem:$0x10080] =	vst v63  }
0x20: {  	s17 =	rddreg [dreg:$0x6]  }
0x21: {  	[tilespmem:s22], [sflag:$0x3] =	stream.linear.gather [hbm4b:s17+s3], $0x2000, $0x38;
	[tilespmem:$0x10080] =	vst v63  }
0x22: {  	s18 =	rddreg [dreg:$0x7]  }
0x23: {  	[tilespmem:s23], [sflag:$0x4] =	stream.linear.gather [hbm4b:s18+s3], $0x2000, $0x38;
	[tilespmem:$0x10080] =	vst v63  }
0x24: {  	s19 =	rddreg [dreg:$0x8]  }
0x25: {  	[tilespmem:s24], [sflag:$0x5] =	stream.linear.gather [hbm4b:s19+s3], $0x2000, $0x38;
	[tilespmem:$0x10080] =	vst v63  }
0x26: {  	s20 =	rddreg [dreg:$0x9]  }
0x27: {  	[tilespmem:s25], [sflag:$0x6] =	stream.linear.gather [hbm4b:s20+s3], $0x2000, $0x38;
	[tilespmem:$0x10080] =	vst v63  }
0x28: {  	s30 =	rddreg [dreg:$0xa]  }
0x29: {  	[tilespmem:s26], [sflag:$0x7] =	stream.linear.gather [hbm4b:s30+s3], $0x2000, $0x38;
	[tilespmem:$0x10080] =	vst v63  }
0x2a: {  	s17 =	rddreg [dreg:$0xb]  }
0x2b: {  	[tilespmem:s28], [sflag:$0x8] =	stream.linear.gather [hbm4b:s17+s3], $0x2000, $0x38;
	[tilespmem:$0x10080] =	vst v63  }
0x2c: {  	s18 =	rddreg [dreg:$0x1];
	s19 =	simm.s32 $0x11;
	s17 =	simm.s32 $0x10000  }
0x2d: {  	[tilespmem:s17], [sflag:$0x11] =	stream.linear.gather [hbm4b:s18+s3], $0x80, $0x38;
	[tilespmem:$0x10080] =	vst v63  }
0x2e: {  	_ =	swait.ge [sflag:s19], $0x80  }
0x2f: {  	[sflag:s19] =	ssyncset.done $0x0  }
0x30: {  	[sflag:s19] =	ssyncadd.s32 $0xFFFFFF80  }
0x31: {  	v0 =	vld [tilespmem:$0x10000]  }
0x32: {  	v1 =	vld [tilespmem:$0x10010]  }
0x33: {  	v3 =	vld [tilespmem:$0x10070]  }
0x34: {  	v2 =	vld [tilespmem:$0x10020]  }
0x35: {  	v4 =	vld [tilespmem:$0x10030]  }
0x36: {  	v5 =	vld [tilespmem:$0x10040]  }
0x37: {  	v6 =	vld [tilespmem:$0x10050]  }
0x38: {  	v7 =	vld [tilespmem:$0x10060];
	_ =	swait.ge [sflag:s31], $0x2000  }
0x39: {  	[sflag:s31] =	ssyncset.done $0x0  }
0x3a: {  	[sflag:s31] =	ssyncadd.s32 $0xFFFFE000  }
0x3b: {  	v12 =	vld.idx.msk [tilespmem:v3+s3+$0x0], $0xffff  }
0x3c: {  	v13 =	vld.idx.msk [tilespmem:v1+s3+$0x0], $0xffff  }
0x3d: {  	s20 =	simm.s32 $0x180;
	v14 =	vld.idx.msk [tilespmem:v0+s3+$0x0], $0xffff  }
0x3e: {  	v8 =	vadd.s32 s20, v6;
	v15 =	vld.idx.msk [tilespmem:v2+s3+$0x0], $0xffff  }
0x3f: {  	v9 =	vadd.s32 s20, v5;
	v16 =	vld.idx.msk [tilespmem:v4+s3+$0x0], $0xffff  }
0x40: {  	v10 =	vadd.s32 s20, v7;
	v17 =	vld.idx.msk [tilespmem:v5+s3+$0x0], $0xffff  }
0x41: {  	v18 =	vadd.s32 s20, v4;
	v19 =	vld.idx.msk [tilespmem:v7+s3+$0x0], $0xffff  }
0x42: {  	v20 =	vadd.s32 s20, v2;
	v21 =	vld.idx.msk [tilespmem:v6+s3+$0x0], $0xffff  }
0x43: {  	s18 =	simm.s32 $0x80;
	v22 =	vadd.s32 s20, v1;
	v8 =	vld.idx.msk [tilespmem:v8+s3+$0x0], $0xffff  }
0x44: {  	v24 =	vadd.s32 s18, v7;
	v9 =	vld.idx.msk [tilespmem:v9+s3+$0x0], $0xffff  }
0x45: {  	v23 =	vadd.s32 s18, v3;
	v11 =	vld.idx.msk [tilespmem:v10+s3+$0x0], $0xffff  }
0x46: {  	v25 =	vadd.s32 s18, v1;
	v10 =	vld.idx.msk [tilespmem:v18+s3+$0x0], $0xffff  }
0x47: {  	v18 =	vadd.s32 s18, v0;
	v33 =	vld.idx.msk [tilespmem:v20+s3+$0x0], $0xffff  }
0x48: {  	s16 =	simm.s32 $0x100;
	v20 =	vadd.s32 s18, v2;
	v38 =	vld.idx.msk [tilespmem:v22+s3+$0x0], $0xffff  }
0x49: {  	s30 =	simm.s32 $0x100;
	v22 =	vadd.s32 s18, v4;
	v26 =	vld.idx.msk [tilespmem:v24+s3+$0x0], $0xffff;
	[tilespmem:s16+$0xFFFFFF10] =	vst v13  }
0x4a: {  	v24 =	vadd.s32 s30, v0;
	v13 =	vld.idx.msk [tilespmem:v23+s3+$0x0], $0xffff;
	[tilespmem:s16+$0xFFFFFF50] =	vst v21  }
0x4b: {  	v23 =	vadd.s32 s18, v5;
	[tilespmem:s16+$0xFFFFFF40] =	vst v17;
	v17 =	vld.idx.msk [tilespmem:v25+s3+$0x0], $0xffff  }
0x4c: {  	v21 =	vadd.s32 s18, v6;
	[tilespmem:s16+$0xFFFFFF60] =	vst v19;
	v18 =	vld.idx.msk [tilespmem:v18+s3+$0x0], $0xffff  }
0x4d: {  	v19 =	vadd.s32 s30, v1;
	[tilespmem:s16+$0xFFFFFF20] =	vst v15;
	v15 =	vld.idx.msk [tilespmem:v20+s3+$0x0], $0xffff  }
0x4e: {  	v27 =	vadd.s32 s30, v6;
	[tilespmem:s16+$0xFFFFFF30] =	vst v16;
	v16 =	vld.idx.msk [tilespmem:v22+s3+$0x0], $0xffff  }
0x4f: {  	[tilespmem:s16+$0xFFFFFF00] =	vst v14;
	v20 =	vadd.s32 s20, v3;
	v24 =	vld.idx.msk [tilespmem:v24+s3+$0x0], $0xffff  }
0x50: {  	[tilespmem:s16+$0xFFFFFF70] =	vst v12;
	v22 =	vadd.s32 s30, v7;
	v25 =	vld.idx.msk [tilespmem:v23+s3+$0x0], $0xffff  }
0x51: {  	v14 =	vadd.s32 s30, v5;
	v30 =	vld.idx.msk [tilespmem:v21+s3+$0x0], $0xffff;
	[tilespmem:s16+$0xFFFFFF90] =	vst v17  }
0x52: {  	v21 =	vadd.s32 s30, v3;
	[tilespmem:s16+$0xFFFFFFF0] =	vst v13;
	v23 =	vld.idx.msk [tilespmem:v19+s3+$0x0], $0xffff  }
0x53: {  	v31 =	vadd.s32 s20, v0;
	[tilespmem:s16+$0xFFFFFFE0] =	vst v26;
	v26 =	vld.idx.msk [tilespmem:v27+s3+$0x0], $0xffff  }
0x54: {  	v34 =	vadd.s32 s30, v4;
	[tilespmem:s16+$0xFFFFFF80] =	vst v18;
	v29 =	vld.idx.msk [tilespmem:v20+s3+$0x0], $0xffff  }
0x55: {  	v39 =	vadd.s32 s30, v2;
	v19 =	vadd.s32 $0x200, v3;
	[tilespmem:s16+$0xFFFFFFA0] =	vst v15;
	v20 =	vld.idx.msk [tilespmem:v22+s3+$0x0], $0xffff  }
0x56: {  	v12 =	vadd.s32 $0x200, v0;
	v13 =	vadd.s32 $0x200, v1;
	v36 =	vadd.s32 s3, v19;
	[tilespmem:s16+$0xFFFFFFB0] =	vst v16;
	v22 =	vld.idx.msk [tilespmem:v14+s3+$0x0], $0xffff  }
0x57: {  	v35 =	vadd.s32 s3, v12;
	v17 =	vadd.s32 $0x200, v6;
	v37 =	vadd.s32 s3, v13;
	[tilespmem:s16+$0xFFFFFFC0] =	vst v25;
	v21 =	vld.idx.msk [tilespmem:v21+s3+$0x0], $0xffff  }
0x58: {  	v27 =	vadd.s32 s3, v17;
	v14 =	vadd.s32 $0x200, v2;
	v15 =	vadd.s32 $0x200, v4;
	[tilespmem:s16+$0xFFFFFFD0] =	vst v30;
	v25 =	vld.idx.msk [tilespmem:v31+s3+$0x0], $0xffff  }
0x59: {  	v16 =	vadd.s32 $0x200, v5;
	v18 =	vadd.s32 $0x200, v7;
	v30 =	vld.idx.msk [tilespmem:v34+s3+$0x0], $0xffff;
	[tilespmem:s16+$0xA0] =	vst v33;
	v34 =	vadd.s32 s3, v14  }
0x5a: {  	s17 =	simm.s32 $0x0;
	s19 =	simm.s32 $0x300;
	s18 =	simm.s32 $0x200;
	v28 =	vadd.s32 s3, v18;
	v32 =	vadd.s32 s3, v15;
	v31 =	vadd.s32 s3, v16;
	v33 =	vld.idx.msk [tilespmem:v39+s3+$0x0], $0xffff;
	[tilespmem:s16+$0x90] =	vst v38  }
.LBB2_2:
0x5b: {  	v36 =	vld.idx.msk [tilespmem:v36+s3+$0x0], $0xffff;
	s20 =	sadd.s32 $0x80, s18;
	s30 =	sadd.s32 $0x180, s18;
	s17 =	sadd.s32 $0x4, s17;
	[tilespmem:s16+$0xF0] =	vst v29  }
0x5c: {  	v29 =	vld.idx.msk [tilespmem:v37+s3+$0x0], $0xffff;
	v37 =	vadd.s32 s20, v0;
	v38 =	vadd.s32 s30, v0;
	v39 =	vadd.s32 s30, v3;
	p0 =	slt.u32 s17, $0x3C;
	[tilespmem:s16+$0xE0] =	vst v11  }
0x5d: {  	v40 =	vadd.s32 s20, v1;
	v41 =	vadd.s32 s20, v7;
	v11 =	vadd.s32 s30, v6;
	v35 =	vld.idx.msk [tilespmem:v35+s3+$0x0], $0xffff;
	[tilespmem:s16+$0xB0] =	vst v10  }
0x5e: {  	v42 =	vadd.s32 s20, v2;
	v43 =	vadd.s32 s20, v3;
	v10 =	vadd.s32 s30, v5;
	v34 =	vld.idx.msk [tilespmem:v34+s3+$0x0], $0xffff;
	[tilespmem:s16+$0x0] =	vst v24  }
0x5f: {  	v44 =	vadd.s32 s30, v1;
	v45 =	vadd.s32 s30, v7;
	v24 =	vld.idx.msk [tilespmem:v32+s3+$0x0], $0xffff;
	v32 =	vadd.s32 s20, v4;
	[tilespmem:s16+$0x10] =	vst v23  }
0x60: {  	v46 =	vadd.s32 s30, v2;
	v47 =	vadd.s32 s30, v4;
	v23 =	vld.idx.msk [tilespmem:v31+s3+$0x0], $0xffff;
	v31 =	vadd.s32 s20, v5;
	[tilespmem:s16+$0xC0] =	vst v9  }
0x61: {  	v48 =	vadd.s32 s20, v6;
	v28 =	vld.idx.msk [tilespmem:v28+s3+$0x0], $0xffff;
	[tilespmem:s16+$0x20] =	vst v33  }
0x62: {  	v27 =	vld.idx.msk [tilespmem:v27+s3+$0x0], $0xffff;
	[tilespmem:s16+$0xD0] =	vst v8  }
0x63: {  	s20 =	sadd.s32 $0x100, s18;
	v8 =	vld.idx.msk [tilespmem:v11+s3+$0x0], $0xffff;
	[tilespmem:s16+$0x30] =	vst v30  }
0x64: {  	v33 =	vadd.s32 s20, v3;
	v30 =	vadd.s32 s20, v0;
	v9 =	vld.idx.msk [tilespmem:v10+s3+$0x0], $0xffff;
	[tilespmem:s16+$0x40] =	vst v22  }
0x65: {  	v22 =	vadd.s32 s20, v1;
	v11 =	vld.idx.msk [tilespmem:v45+s3+$0x0], $0xffff;
	[tilespmem:s16+$0x60] =	vst v20  }
0x66: {  	v45 =	vadd.s32 s20, v2;
	v10 =	vld.idx.msk [tilespmem:v47+s3+$0x0], $0xffff;
	[tilespmem:s16+$0x50] =	vst v26  }
0x67: {  	v47 =	vadd.s32 s20, v4;
	v46 =	vld.idx.msk [tilespmem:v46+s3+$0x0], $0xffff;
	[tilespmem:s16+$0x70] =	vst v21  }
0x68: {  	v21 =	vadd.s32 s20, v5;
	v44 =	vld.idx.msk [tilespmem:v44+s3+$0x0], $0xffff;
	[tilespmem:s16+$0x80] =	vst v25;
	s16 =	smov.u32 s19  }
0x69: {  	v25 =	vadd.s32 s20, v6;
	[tilespmem:s19+$0xFFFFFF10] =	vst v29;
	v20 =	vld.idx.msk [tilespmem:v43+s3+$0x0], $0xffff  }
0x6a: {  	[tilespmem:s19+$0xFFFFFF50] =	vst v27;
	v26 =	vld.idx.msk [tilespmem:v41+s3+$0x0], $0xffff;
	v27 =	vadd.s32 s20, v7  }
0x6b: {  	[tilespmem:s19+$0xFFFFFF40] =	vst v23;
	v23 =	vld.idx.msk [tilespmem:v40+s3+$0x0], $0xffff  }
0x6c: {  	[tilespmem:s19+$0xFFFFFF60] =	vst v28;
	v28 =	vld.idx.msk [tilespmem:v37+s3+$0x0], $0xffff  }
0x6d: {  	[tilespmem:s19+$0xFFFFFF20] =	vst v34;
	v34 =	vld.idx.msk [tilespmem:v42+s3+$0x0], $0xffff  }
0x6e: {  	[tilespmem:s19+$0xFFFFFF30] =	vst v24;
	v32 =	vld.idx.msk [tilespmem:v32+s3+$0x0], $0xffff  }
0x6f: {  	[tilespmem:s19+$0xFFFFFF00] =	vst v35;
	v35 =	vld.idx.msk [tilespmem:v31+s3+$0x0], $0xffff  }
0x70: {  	[tilespmem:s19+$0xFFFFFF70] =	vst v36;
	v40 =	vld.idx.msk [tilespmem:v48+s3+$0x0], $0xffff  }
0x71: {  	[tilespmem:s19+$0xFFFFFF90] =	vst v23;
	v24 =	vld.idx.msk [tilespmem:v30+s3+$0x0], $0xffff  }
0x72: {  	[tilespmem:s19+$0xFFFFFFF0] =	vst v20;
	v23 =	vld.idx.msk [tilespmem:v22+s3+$0x0], $0xffff  }
0x73: {  	[tilespmem:s19+$0xFFFFFF80] =	vst v28;
	v29 =	vld.idx.msk [tilespmem:v39+s3+$0x0], $0xffff  }
0x74: {  	[tilespmem:s19+$0xFFFFFFA0] =	vst v34;
	v20 =	vld.idx.msk [tilespmem:v27+s3+$0x0], $0xffff  }
0x75: {  	v28 =	vadd.s32 s18, v18;
	v27 =	vadd.s32 s18, v17;
	[tilespmem:s19+$0xFFFFFFB0] =	vst v32;
	v22 =	vld.idx.msk [tilespmem:v21+s3+$0x0], $0xffff  }
.Ltmp0:
0x76: {  	v31 =	vadd.s32 s18, v16;
	v36 =	vadd.s32 s18, v19;
	v32 =	vadd.s32 s18, v15;
	[tilespmem:s19+$0xFFFFFFC0] =	vst v35;
	v21 =	vld.idx.msk [tilespmem:v33+s3+$0x0], $0xffff;
	(pc) =	sbr.rel @p0 .LBB2_2-.Ltmp0, $4  }
0x77: {  	v37 =	vadd.s32 s18, v13;
	v34 =	vadd.s32 s18, v14;
	v35 =	vadd.s32 s18, v12;
	[tilespmem:s19+$0xFFFFFFE0] =	vst v26;
	v26 =	vld.idx.msk [tilespmem:v25+s3+$0x0], $0xffff  }
0x78: {  	[tilespmem:s19+$0xFFFFFFD0] =	vst v40;
	v25 =	vld.idx.msk [tilespmem:v38+s3+$0x0], $0xffff  }
0x79: {  	v30 =	vld.idx.msk [tilespmem:v47+s3+$0x0], $0xffff;
	[tilespmem:s19+$0xA0] =	vst v46  }
0x7a: {  	s18 =	sadd.s32 $0x200, s18;
	s19 =	sadd.s32 $0x200, s19;
	v33 =	vld.idx.msk [tilespmem:v45+s3+$0x0], $0xffff;
	[tilespmem:s16+$0x90] =	vst v44  }
0x7b: {  	[tilespmem:s16+$0xF0] =	vst v29  }
0x7c: {  	[tilespmem:s16+$0xE0] =	vst v11  }
0x7d: {  	[tilespmem:s16+$0xB0] =	vst v10  }
0x7e: {  	[tilespmem:s16+$0x0] =	vst v24  }
0x7f: {  	[tilespmem:s16+$0x10] =	vst v23  }
0x80: {  	[tilespmem:s16+$0xC0] =	vst v9  }
0x81: {  	[tilespmem:s16+$0xD0] =	vst v8  }
0x82: {  	[tilespmem:s16+$0x40] =	vst v22  }
0x83: {  	[tilespmem:s16+$0x60] =	vst v20  }
0x84: {  	[tilespmem:s16+$0x70] =	vst v21  }
0x85: {  	[tilespmem:s16+$0x50] =	vst v26  }
0x86: {  	[tilespmem:s16+$0x80] =	vst v25  }
0x87: {  	[tilespmem:s16+$0x30] =	vst v30  }
0x88: {  	s17 =	simm.s32 $0x180;
	[tilespmem:s16+$0x20] =	vst v33  }
0x89: {  	s18 =	simm.s32 $0x0;
	v8 =	vadd.s32 s17, v0;
	s16 =	rddreg [dreg:$0xc]  }
0x8a: {  	v9 =	vadd.s32 s17, v3;
	[hbm4b:s16+s18] =	stream.linear.scatter [tilespmem:s18], [sflag:$0x9], $0x2000, $0x38;
	[tilespmem:$0x10080] =	vst v63  }
0x8b: {  	v10 =	vadd.s32 s17, v1;
	_ =	swait.ge [sflag:s0], $0x2000  }
0x8c: {  	v11 =	vadd.s32 s17, v2;
	[sflag:s0] =	ssyncset.done $0x0  }
0x8d: {  	v12 =	vadd.s32 s17, v4;
	[sflag:s0] =	ssyncadd.s32 $0xFFFFE000  }
0x8e: {  	v13 =	vadd.s32 s17, v5;
	v8 =	vld.idx.msk [tilespmem:v8+s21+$0x0], $0xffff  }
0x8f: {  	v14 =	vadd.s32 s17, v6;
	v9 =	vld.idx.msk [tilespmem:v9+s21+$0x0], $0xffff  }
0x90: {  	s19 =	simm.s32 $0x80;
	v15 =	vadd.s32 s17, v7;
	v10 =	vld.idx.msk [tilespmem:v10+s21+$0x0], $0xffff  }
0x91: {  	v16 =	vadd.s32 s19, v0;
	v11 =	vld.idx.msk [tilespmem:v11+s21+$0x0], $0xffff  }
0x92: {  	v17 =	vadd.s32 s19, v1;
	v12 =	vld.idx.msk [tilespmem:v12+s21+$0x0], $0xffff  }
0x93: {  	v18 =	vadd.s32 s19, v2;
	v13 =	vld.idx.msk [tilespmem:v13+s21+$0x0], $0xffff  }
0x94: {  	v19 =	vadd.s32 s19, v4;
	v14 =	vld.idx.msk [tilespmem:v14+s21+$0x0], $0xffff  }
0x95: {  	v20 =	vadd.s32 s19, v5;
	s16 =	simm.s32 $0x2100;
	v15 =	vld.idx.msk [tilespmem:v15+s21+$0x0], $0xffff  }
0x96: {  	v21 =	vadd.s32 s19, v6;
	[tilespmem:s16+$0xF0] =	vst v9;
	v9 =	vld.idx.msk [tilespmem:v16+s21+$0x0], $0xffff  }
0x97: {  	v16 =	vadd.s32 s19, v7;
	[tilespmem:s16+$0x80] =	vst v8;
	v8 =	vld.idx.msk [tilespmem:v17+s21+$0x0], $0xffff  }
0x98: {  	s30 =	simm.s32 $0x100;
	v17 =	vadd.s32 s19, v3;
	[tilespmem:s16+$0x90] =	vst v10;
	v10 =	vld.idx.msk [tilespmem:v18+s21+$0x0], $0xffff  }
0x99: {  	v18 =	vadd.s32 s30, v0;
	[tilespmem:s16+$0xA0] =	vst v11;
	v11 =	vld.idx.msk [tilespmem:v19+s21+$0x0], $0xffff  }
0x9a: {  	v19 =	vadd.s32 s30, v1;
	[tilespmem:s16+$0xB0] =	vst v12;
	v12 =	vld.idx.msk [tilespmem:v20+s21+$0x0], $0xffff  }
0x9b: {  	v20 =	vadd.s32 s30, v2;
	[tilespmem:s16+$0xC0] =	vst v13;
	v13 =	vld.idx.msk [tilespmem:v21+s21+$0x0], $0xffff  }
0x9c: {  	v21 =	vadd.s32 s30, v4;
	[tilespmem:s16+$0xD0] =	vst v14;
	v14 =	vld.idx.msk [tilespmem:v16+s21+$0x0], $0xffff  }
0x9d: {  	[tilespmem:s16+$0xE0] =	vst v15;
	v16 =	vadd.s32 s30, v5;
	v15 =	vld.idx.msk [tilespmem:v17+s21+$0x0], $0xffff  }
0x9e: {  	v17 =	vadd.s32 s30, v6;
	[tilespmem:s16+$0xFFFFFF80] =	vst v9;
	v22 =	vld.idx.msk [tilespmem:v18+s21+$0x0], $0xffff  }
0x9f: {  	[tilespmem:s16+$0xFFFFFF90] =	vst v8;
	v23 =	vld.idx.msk [tilespmem:v19+s21+$0x0], $0xffff;
	v8 =	vadd.s32 s30, v3  }
0xa0: {  	v9 =	vadd.s32 s30, v7;
	[tilespmem:s16+$0xFFFFFFA0] =	vst v10;
	v10 =	vld.idx.msk [tilespmem:v20+s21+$0x0], $0xffff  }
0xa1: {  	v62 =	vadd.s32 s18, v1;
	[tilespmem:s16+$0xFFFFFFB0] =	vst v11;
	v21 =	vld.idx.msk [tilespmem:v21+s21+$0x0], $0xffff  }
0xa2: {  	v11 =	vadd.s32 s18, v0;
	[tilespmem:s16+$0xFFFFFFC0] =	vst v12;
	v20 =	vld.idx.msk [tilespmem:v16+s21+$0x0], $0xffff  }
0xa3: {  	v63 =	vadd.s32 s18, v2;
	[tilespmem:s16+$0xFFFFFFD0] =	vst v13;
	v19 =	vld.idx.msk [tilespmem:v17+s21+$0x0], $0xffff  }
0xa4: {  	[tilespmem:s16+$0xFFFFFFE0] =	vst v14;
	v16 =	vld.idx.msk [tilespmem:v8+s21+$0x0], $0xffff;
	v8 =	vadd.s32 s18, v4  }
0xa5: {  	v18 =	vld.idx.msk [tilespmem:v9+s21+$0x0], $0xffff;
	[tilespmem:s16+$0xFFFFFFF0] =	vst v15;
	v14 =	vadd.s32 s18, v5  }
0xa6: {  	v13 =	vadd.s32 s18, v6;
	v9 =	vld.idx.msk [tilespmem:v62+s21+$0x0], $0xffff;
	[tilespmem:s16+$0x0] =	vst v22  }
0xa7: {  	v12 =	vadd.s32 s18, v7;
	v17 =	vld.idx.msk [tilespmem:v11+s21+$0x0], $0xffff;
	[tilespmem:s16+$0x10] =	vst v23  }
0xa8: {  	s17 =	simm.s32 $0x0;
	v11 =	vadd.s32 s18, v3;
	v15 =	vld.idx.msk [tilespmem:v63+s21+$0x0], $0xffff;
	[tilespmem:s16+$0x20] =	vst v10;
	s18 =	simm.s32 $0x200  }
.LBB2_4:
0xa9: {  	v22 =	vadd.s32 s18, v1;
	v10 =	vadd.s32 s18, v2;
	s19 =	sadd.s32 $0x80, s18;
	s20 =	sadd.s32 $0x100, s18;
	s30 =	sadd.s32 $0x180, s18;
	v23 =	vld.idx.msk [tilespmem:v8+s21+$0x0], $0xffff;
	v8 =	vadd.s32 s18, v4;
	[tilespmem:s16+$0x30] =	vst v21  }
0xaa: {  	s17 =	sadd.s32 $0x4, s17;
	v21 =	vadd.s32 s19, v0;
	v24 =	vadd.s32 s19, v1;
	v25 =	vadd.s32 s30, v0;
	v26 =	vld.idx.msk [tilespmem:v14+s21+$0x0], $0xffff;
	[tilespmem:s16+$0x40] =	vst v20  }
0xab: {  	v20 =	vadd.s32 s19, v2;
	v27 =	vadd.s32 s19, v4;
	v14 =	vadd.s32 s30, v3;
	p0 =	slt.u32 s17, $0x3C;
	v28 =	vld.idx.msk [tilespmem:v13+s21+$0x0], $0xffff;
	[tilespmem:s16+$0x50] =	vst v19  }
0xac: {  	v29 =	vadd.s32 s19, v6;
	v19 =	vadd.s32 s19, v5;
	v13 =	vadd.s32 s30, v1;
	v30 =	vld.idx.msk [tilespmem:v12+s21+$0x0], $0xffff;
	[tilespmem:s16+$0x60] =	vst v18  }
0xad: {  	v31 =	vadd.s32 s19, v3;
	v32 =	vadd.s32 s30, v2;
	v18 =	vadd.s32 s19, v7;
	v33 =	vld.idx.msk [tilespmem:v11+s21+$0x0], $0xffff;
	[tilespmem:s16+$0x70] =	vst v16  }
0xae: {  	v34 =	vadd.s32 s20, v1;
	v35 =	vadd.s32 s30, v4;
	v16 =	vld.idx.msk [tilespmem:v22+s21+$0x0], $0xffff;
	v22 =	vadd.s32 s20, v0;
	[tilespmem:s16+$0xFFFFFF00] =	vst v17  }
0xaf: {  	v36 =	vadd.s32 s20, v4;
	v37 =	vadd.s32 s30, v5;
	v17 =	vadd.s32 s20, v2;
	v25 =	vld.idx.msk [tilespmem:v25+s21+$0x0], $0xffff;
	[tilespmem:s16+$0xFFFFFF10] =	vst v9  }
0xb0: {  	v38 =	vadd.s32 s20, v5;
	v39 =	vadd.s32 s20, v6;
	v40 =	vadd.s32 s30, v6;
	v41 =	vld.idx.msk [tilespmem:v14+s21+$0x0], $0xffff;
	[tilespmem:s16+$0xFFFFFF20] =	vst v15  }
0xb1: {  	v42 =	vadd.s32 s20, v3;
	v44 =	vadd.s32 s30, v7;
	v15 =	vadd.s32 s20, v7;
	v43 =	vld.idx.msk [tilespmem:v13+s21+$0x0], $0xffff;
	[tilespmem:s16+$0xFFFFFF30] =	vst v23  }
0xb2: {  	v12 =	vadd.s32 s18, v7;
	v14 =	vadd.s32 s18, v5;
	v13 =	vadd.s32 s18, v6;
	v23 =	vld.idx.msk [tilespmem:v32+s21+$0x0], $0xffff;
	[tilespmem:s16+$0xFFFFFF40] =	vst v26  }
0xb3: {  	v11 =	vadd.s32 s18, v3;
	v26 =	vadd.s32 s18, v0;
	v32 =	vld.idx.msk [tilespmem:v35+s21+$0x0], $0xffff;
	[tilespmem:s16+$0xFFFFFF50] =	vst v28  }
0xb4: {  	v9 =	vmov v16;
	v28 =	vld.idx.msk [tilespmem:v37+s21+$0x0], $0xffff;
	[tilespmem:s16+$0xFFFFFF60] =	vst v30  }
0xb5: {  	v16 =	vld.idx.msk [tilespmem:v40+s21+$0x0], $0xffff;
	[tilespmem:s16+$0xFFFFFF70] =	vst v33;
	s16 =	sadd.s32 $0x200, s16  }
0xb6: {  	v30 =	vld.idx.msk [tilespmem:v44+s21+$0x0], $0xffff;
	[tilespmem:s16+$0xF0] =	vst v41  }
0xb7: {  	v21 =	vld.idx.msk [tilespmem:v21+s21+$0x0], $0xffff;
	[tilespmem:s16+$0x80] =	vst v25  }
0xb8: {  	v24 =	vld.idx.msk [tilespmem:v24+s21+$0x0], $0xffff;
	[tilespmem:s16+$0x90] =	vst v43  }
0xb9: {  	v20 =	vld.idx.msk [tilespmem:v20+s21+$0x0], $0xffff;
	[tilespmem:s16+$0xA0] =	vst v23  }
0xba: {  	v23 =	vld.idx.msk [tilespmem:v27+s21+$0x0], $0xffff;
	[tilespmem:s16+$0xB0] =	vst v32  }
0xbb: {  	v19 =	vld.idx.msk [tilespmem:v19+s21+$0x0], $0xffff;
	[tilespmem:s16+$0xC0] =	vst v28  }
0xbc: {  	v25 =	vld.idx.msk [tilespmem:v29+s21+$0x0], $0xffff;
	[tilespmem:s16+$0xD0] =	vst v16  }
0xbd: {  	v16 =	vld.idx.msk [tilespmem:v18+s21+$0x0], $0xffff;
	[tilespmem:s16+$0xE0] =	vst v30  }
0xbe: {  	v18 =	vld.idx.msk [tilespmem:v31+s21+$0x0], $0xffff;
	[tilespmem:s16+$0xFFFFFF80] =	vst v21  }
0xbf: {  	[tilespmem:s16+$0xFFFFFF90] =	vst v24;
	v22 =	vld.idx.msk [tilespmem:v22+s21+$0x0], $0xffff  }
0xc0: {  	[tilespmem:s16+$0xFFFFFFA0] =	vst v20;
	v24 =	vld.idx.msk [tilespmem:v34+s21+$0x0], $0xffff  }
0xc1: {  	[tilespmem:s16+$0xFFFFFFB0] =	vst v23;
	v23 =	vld.idx.msk [tilespmem:v17+s21+$0x0], $0xffff  }
0xc2: {  	[tilespmem:s16+$0xFFFFFFC0] =	vst v19;
	v21 =	vld.idx.msk [tilespmem:v36+s21+$0x0], $0xffff  }
0xc3: {  	[tilespmem:s16+$0xFFFFFFD0] =	vst v25;
	v20 =	vld.idx.msk [tilespmem:v38+s21+$0x0], $0xffff  }
.Ltmp1:
0xc4: {  	[tilespmem:s16+$0xFFFFFFE0] =	vst v16;
	v19 =	vld.idx.msk [tilespmem:v39+s21+$0x0], $0xffff;
	(pc) =	sbr.rel @p0 .LBB2_4-.Ltmp1, $4  }
0xc5: {  	[tilespmem:s16+$0xFFFFFFF0] =	vst v18;
	v18 =	vld.idx.msk [tilespmem:v15+s21+$0x0], $0xffff  }
0xc6: {  	v16 =	vld.idx.msk [tilespmem:v42+s21+$0x0], $0xffff;
	[tilespmem:s16+$0x0] =	vst v22  }
0xc7: {  	v17 =	vld.idx.msk [tilespmem:v26+s21+$0x0], $0xffff;
	[tilespmem:s16+$0x10] =	vst v24  }
0xc8: {  	s18 =	sadd.s32 $0x200, s18;
	v15 =	vld.idx.msk [tilespmem:v10+s21+$0x0], $0xffff;
	[tilespmem:s16+$0x20] =	vst v23  }
0xc9: {  	_ =	sdelay $0x3  }
0xca: {  	v8 =	vld.idx.msk [tilespmem:v8+s21+$0x0], $0xffff  }
0xcb: {  	[tilespmem:s16+$0x30] =	vst v21;
	v10 =	vld.idx.msk [tilespmem:v14+s21+$0x0], $0xffff  }
0xcc: {  	[tilespmem:s16+$0x40] =	vst v20;
	v13 =	vld.idx.msk [tilespmem:v13+s21+$0x0], $0xffff  }
0xcd: {  	[tilespmem:s16+$0x50] =	vst v19;
	v12 =	vld.idx.msk [tilespmem:v12+s21+$0x0], $0xffff  }
0xce: {  	v11 =	vld.idx.msk [tilespmem:v11+s21+$0x0], $0xffff;
	[tilespmem:s16+$0xFFFFFF10] =	vst v9  }
0xcf: {  	[tilespmem:s16+$0x60] =	vst v18  }
0xd0: {  	[tilespmem:s16+$0x70] =	vst v16  }
0xd1: {  	[tilespmem:s16+$0xFFFFFF00] =	vst v17  }
0xd2: {  	[tilespmem:s16+$0xFFFFFF20] =	vst v15  }
0xd3: {  	[tilespmem:s16+$0xFFFFFF30] =	vst v8  }
0xd4: {  	[tilespmem:s16+$0xFFFFFF40] =	vst v10  }
0xd5: {  	[tilespmem:s16+$0xFFFFFF50] =	vst v13  }
0xd6: {  	[tilespmem:s16+$0xFFFFFF60] =	vst v12  }
0xd7: {  	s17 =	simm.s32 $0x180;
	[tilespmem:s16+$0xFFFFFF70] =	vst v11  }
0xd8: {  	s18 =	simm.s32 $0x0;
	v8 =	vadd.s32 s17, v0;
	s16 =	rddreg [dreg:$0xd]  }
0xd9: {  	v9 =	vadd.s32 s17, v3;
	[hbm4b:s16+s18] =	stream.linear.scatter [tilespmem:s21], [sflag:$0xA], $0x2000, $0x38;
	[tilespmem:$0x10080] =	vst v63  }
0xda: {  	v10 =	vadd.s32 s17, v1;
	_ =	swait.ge [sflag:s2], $0x2000  }
0xdb: {  	v11 =	vadd.s32 s17, v2;
	[sflag:s2] =	ssyncset.done $0x0  }
0xdc: {  	v12 =	vadd.s32 s17, v4;
	[sflag:s2] =	ssyncadd.s32 $0xFFFFE000  }
0xdd: {  	v13 =	vadd.s32 s17, v5;
	v8 =	vld.idx.msk [tilespmem:v8+s22+$0x0], $0xffff  }
0xde: {  	v14 =	vadd.s32 s17, v6;
	v9 =	vld.idx.msk [tilespmem:v9+s22+$0x0], $0xffff  }
0xdf: {  	s19 =	simm.s32 $0x80;
	v15 =	vadd.s32 s17, v7;
	v10 =	vld.idx.msk [tilespmem:v10+s22+$0x0], $0xffff  }
0xe0: {  	v16 =	vadd.s32 s19, v0;
	v11 =	vld.idx.msk [tilespmem:v11+s22+$0x0], $0xffff  }
0xe1: {  	v17 =	vadd.s32 s19, v1;
	v12 =	vld.idx.msk [tilespmem:v12+s22+$0x0], $0xffff  }
0xe2: {  	v18 =	vadd.s32 s19, v2;
	v13 =	vld.idx.msk [tilespmem:v13+s22+$0x0], $0xffff  }
0xe3: {  	v19 =	vadd.s32 s19, v4;
	v14 =	vld.idx.msk [tilespmem:v14+s22+$0x0], $0xffff  }
0xe4: {  	v20 =	vadd.s32 s19, v5;
	s16 =	simm.s32 $0x4100;
	v15 =	vld.idx.msk [tilespmem:v15+s22+$0x0], $0xffff  }
0xe5: {  	v21 =	vadd.s32 s19, v6;
	[tilespmem:s16+$0xF0] =	vst v9;
	v9 =	vld.idx.msk [tilespmem:v16+s22+$0x0], $0xffff  }
0xe6: {  	v16 =	vadd.s32 s19, v7;
	[tilespmem:s16+$0x80] =	vst v8;
	v8 =	vld.idx.msk [tilespmem:v17+s22+$0x0], $0xffff  }
0xe7: {  	s30 =	simm.s32 $0x100;
	v17 =	vadd.s32 s19, v3;
	[tilespmem:s16+$0x90] =	vst v10;
	v10 =	vld.idx.msk [tilespmem:v18+s22+$0x0], $0xffff  }
0xe8: {  	v18 =	vadd.s32 s30, v0;
	[tilespmem:s16+$0xA0] =	vst v11;
	v11 =	vld.idx.msk [tilespmem:v19+s22+$0x0], $0xffff  }
0xe9: {  	v19 =	vadd.s32 s30, v1;
	[tilespmem:s16+$0xB0] =	vst v12;
	v12 =	vld.idx.msk [tilespmem:v20+s22+$0x0], $0xffff  }
0xea: {  	v20 =	vadd.s32 s30, v2;
	[tilespmem:s16+$0xC0] =	vst v13;
	v13 =	vld.idx.msk [tilespmem:v21+s22+$0x0], $0xffff  }
0xeb: {  	v21 =	vadd.s32 s30, v4;
	[tilespmem:s16+$0xD0] =	vst v14;
	v14 =	vld.idx.msk [tilespmem:v16+s22+$0x0], $0xffff  }
0xec: {  	[tilespmem:s16+$0xE0] =	vst v15;
	v16 =	vadd.s32 s30, v5;
	v15 =	vld.idx.msk [tilespmem:v17+s22+$0x0], $0xffff  }
0xed: {  	v17 =	vadd.s32 s30, v6;
	[tilespmem:s16+$0xFFFFFF80] =	vst v9;
	v22 =	vld.idx.msk [tilespmem:v18+s22+$0x0], $0xffff  }
0xee: {  	[tilespmem:s16+$0xFFFFFF90] =	vst v8;
	v23 =	vld.idx.msk [tilespmem:v19+s22+$0x0], $0xffff;
	v8 =	vadd.s32 s30, v3  }
0xef: {  	v9 =	vadd.s32 s30, v7;
	[tilespmem:s16+$0xFFFFFFA0] =	vst v10;
	v10 =	vld.idx.msk [tilespmem:v20+s22+$0x0], $0xffff  }
0xf0: {  	v24 =	vadd.s32 s18, v1;
	[tilespmem:s16+$0xFFFFFFB0] =	vst v11;
	v21 =	vld.idx.msk [tilespmem:v21+s22+$0x0], $0xffff  }
0xf1: {  	v11 =	vadd.s32 s18, v0;
	[tilespmem:s16+$0xFFFFFFC0] =	vst v12;
	v20 =	vld.idx.msk [tilespmem:v16+s22+$0x0], $0xffff  }
0xf2: {  	v25 =	vadd.s32 s18, v2;
	[tilespmem:s16+$0xFFFFFFD0] =	vst v13;
	v19 =	vld.idx.msk [tilespmem:v17+s22+$0x0], $0xffff  }
0xf3: {  	[tilespmem:s16+$0xFFFFFFE0] =	vst v14;
	v16 =	vld.idx.msk [tilespmem:v8+s22+$0x0], $0xffff;
	v8 =	vadd.s32 s18, v4  }
0xf4: {  	v18 =	vld.idx.msk [tilespmem:v9+s22+$0x0], $0xffff;
	[tilespmem:s16+$0xFFFFFFF0] =	vst v15;
	v14 =	vadd.s32 s18, v5  }
0xf5: {  	v13 =	vadd.s32 s18, v6;
	v9 =	vld.idx.msk [tilespmem:v24+s22+$0x0], $0xffff;
	[tilespmem:s16+$0x0] =	vst v22  }
0xf6: {  	v12 =	vadd.s32 s18, v7;
	v17 =	vld.idx.msk [tilespmem:v11+s22+$0x0], $0xffff;
	[tilespmem:s16+$0x10] =	vst v23  }
0xf7: {  	s17 =	simm.s32 $0x0;
	v11 =	vadd.s32 s18, v3;
	v15 =	vld.idx.msk [tilespmem:v25+s22+$0x0], $0xffff;
	[tilespmem:s16+$0x20] =	vst v10;
	s18 =	simm.s32 $0x200  }
.LBB2_6:
0xf8: {  	v22 =	vadd.s32 s18, v1;
	v10 =	vadd.s32 s18, v2;
	s19 =	sadd.s32 $0x80, s18;
	s20 =	sadd.s32 $0x100, s18;
	s30 =	sadd.s32 $0x180, s18;
	v23 =	vld.idx.msk [tilespmem:v8+s22+$0x0], $0xffff;
	v8 =	vadd.s32 s18, v4;
	[tilespmem:s16+$0x30] =	vst v21  }
0xf9: {  	s17 =	sadd.s32 $0x4, s17;
	v21 =	vadd.s32 s19, v0;
	v24 =	vadd.s32 s19, v1;
	v25 =	vadd.s32 s30, v0;
	v26 =	vld.idx.msk [tilespmem:v14+s22+$0x0], $0xffff;
	[tilespmem:s16+$0x40] =	vst v20  }
0xfa: {  	v20 =	vadd.s32 s19, v2;
	v27 =	vadd.s32 s19, v4;
	v14 =	vadd.s32 s30, v3;
	p0 =	slt.u32 s17, $0x3C;
	v28 =	vld.idx.msk [tilespmem:v13+s22+$0x0], $0xffff;
	[tilespmem:s16+$0x50] =	vst v19  }
0xfb: {  	v29 =	vadd.s32 s19, v6;
	v19 =	vadd.s32 s19, v5;
	v13 =	vadd.s32 s30, v1;
	v30 =	vld.idx.msk [tilespmem:v12+s22+$0x0], $0xffff;
	[tilespmem:s16+$0x60] =	vst v18  }
0xfc: {  	v31 =	vadd.s32 s19, v3;
	v32 =	vadd.s32 s30, v2;
	v18 =	vadd.s32 s19, v7;
	v33 =	vld.idx.msk [tilespmem:v11+s22+$0x0], $0xffff;
	[tilespmem:s16+$0x70] =	vst v16  }
0xfd: {  	v34 =	vadd.s32 s20, v1;
	v35 =	vadd.s32 s30, v4;
	v16 =	vld.idx.msk [tilespmem:v22+s22+$0x0], $0xffff;
	v22 =	vadd.s32 s20, v0;
	[tilespmem:s16+$0xFFFFFF00] =	vst v17  }
0xfe: {  	v36 =	vadd.s32 s20, v4;
	v37 =	vadd.s32 s30, v5;
	v17 =	vadd.s32 s20, v2;
	v25 =	vld.idx.msk [tilespmem:v25+s22+$0x0], $0xffff;
	[tilespmem:s16+$0xFFFFFF10] =	vst v9  }
0xff: {  	v38 =	vadd.s32 s20, v5;
	v39 =	vadd.s32 s20, v6;
	v40 =	vadd.s32 s30, v6;
	v41 =	vld.idx.msk [tilespmem:v14+s22+$0x0], $0xffff;
	[tilespmem:s16+$0xFFFFFF20] =	vst v15  }
0x100: {  	v42 =	vadd.s32 s20, v3;
	v44 =	vadd.s32 s30, v7;
	v15 =	vadd.s32 s20, v7;
	v43 =	vld.idx.msk [tilespmem:v13+s22+$0x0], $0xffff;
	[tilespmem:s16+$0xFFFFFF30] =	vst v23  }
0x101: {  	v12 =	vadd.s32 s18, v7;
	v14 =	vadd.s32 s18, v5;
	v13 =	vadd.s32 s18, v6;
	v23 =	vld.idx.msk [tilespmem:v32+s22+$0x0], $0xffff;
	[tilespmem:s16+$0xFFFFFF40] =	vst v26  }
0x102: {  	v11 =	vadd.s32 s18, v3;
	v26 =	vadd.s32 s18, v0;
	v32 =	vld.idx.msk [tilespmem:v35+s22+$0x0], $0xffff;
	[tilespmem:s16+$0xFFFFFF50] =	vst v28  }
0x103: {  	v9 =	vmov v16;
	v28 =	vld.idx.msk [tilespmem:v37+s22+$0x0], $0xffff;
	[tilespmem:s16+$0xFFFFFF60] =	vst v30  }
0x104: {  	v16 =	vld.idx.msk [tilespmem:v40+s22+$0x0], $0xffff;
	[tilespmem:s16+$0xFFFFFF70] =	vst v33;
	s16 =	sadd.s32 $0x200, s16  }
0x105: {  	v30 =	vld.idx.msk [tilespmem:v44+s22+$0x0], $0xffff;
	[tilespmem:s16+$0xF0] =	vst v41  }
0x106: {  	v21 =	vld.idx.msk [tilespmem:v21+s22+$0x0], $0xffff;
	[tilespmem:s16+$0x80] =	vst v25  }
0x107: {  	v24 =	vld.idx.msk [tilespmem:v24+s22+$0x0], $0xffff;
	[tilespmem:s16+$0x90] =	vst v43  }
0x108: {  	v20 =	vld.idx.msk [tilespmem:v20+s22+$0x0], $0xffff;
	[tilespmem:s16+$0xA0] =	vst v23  }
0x109: {  	v23 =	vld.idx.msk [tilespmem:v27+s22+$0x0], $0xffff;
	[tilespmem:s16+$0xB0] =	vst v32  }
0x10a: {  	v19 =	vld.idx.msk [tilespmem:v19+s22+$0x0], $0xffff;
	[tilespmem:s16+$0xC0] =	vst v28  }
0x10b: {  	v25 =	vld.idx.msk [tilespmem:v29+s22+$0x0], $0xffff;
	[tilespmem:s16+$0xD0] =	vst v16  }
0x10c: {  	v16 =	vld.idx.msk [tilespmem:v18+s22+$0x0], $0xffff;
	[tilespmem:s16+$0xE0] =	vst v30  }
0x10d: {  	v18 =	vld.idx.msk [tilespmem:v31+s22+$0x0], $0xffff;
	[tilespmem:s16+$0xFFFFFF80] =	vst v21  }
0x10e: {  	[tilespmem:s16+$0xFFFFFF90] =	vst v24;
	v22 =	vld.idx.msk [tilespmem:v22+s22+$0x0], $0xffff  }
0x10f: {  	[tilespmem:s16+$0xFFFFFFA0] =	vst v20;
	v24 =	vld.idx.msk [tilespmem:v34+s22+$0x0], $0xffff  }
0x110: {  	[tilespmem:s16+$0xFFFFFFB0] =	vst v23;
	v23 =	vld.idx.msk [tilespmem:v17+s22+$0x0], $0xffff  }
0x111: {  	[tilespmem:s16+$0xFFFFFFC0] =	vst v19;
	v21 =	vld.idx.msk [tilespmem:v36+s22+$0x0], $0xffff  }
0x112: {  	[tilespmem:s16+$0xFFFFFFD0] =	vst v25;
	v20 =	vld.idx.msk [tilespmem:v38+s22+$0x0], $0xffff  }
.Ltmp2:
0x113: {  	[tilespmem:s16+$0xFFFFFFE0] =	vst v16;
	v19 =	vld.idx.msk [tilespmem:v39+s22+$0x0], $0xffff;
	(pc) =	sbr.rel @p0 .LBB2_6-.Ltmp2, $4  }
0x114: {  	[tilespmem:s16+$0xFFFFFFF0] =	vst v18;
	v18 =	vld.idx.msk [tilespmem:v15+s22+$0x0], $0xffff  }
0x115: {  	v16 =	vld.idx.msk [tilespmem:v42+s22+$0x0], $0xffff;
	[tilespmem:s16+$0x0] =	vst v22  }
0x116: {  	v17 =	vld.idx.msk [tilespmem:v26+s22+$0x0], $0xffff;
	[tilespmem:s16+$0x10] =	vst v24  }
0x117: {  	s18 =	sadd.s32 $0x200, s18;
	v15 =	vld.idx.msk [tilespmem:v10+s22+$0x0], $0xffff;
	[tilespmem:s16+$0x20] =	vst v23  }
0x118: {  	_ =	sdelay $0x3  }
0x119: {  	v8 =	vld.idx.msk [tilespmem:v8+s22+$0x0], $0xffff  }
0x11a: {  	[tilespmem:s16+$0x30] =	vst v21;
	v10 =	vld.idx.msk [tilespmem:v14+s22+$0x0], $0xffff  }
0x11b: {  	[tilespmem:s16+$0x40] =	vst v20;
	v13 =	vld.idx.msk [tilespmem:v13+s22+$0x0], $0xffff  }
0x11c: {  	[tilespmem:s16+$0x50] =	vst v19;
	v12 =	vld.idx.msk [tilespmem:v12+s22+$0x0], $0xffff  }
0x11d: {  	v11 =	vld.idx.msk [tilespmem:v11+s22+$0x0], $0xffff;
	[tilespmem:s16+$0xFFFFFF10] =	vst v9  }
0x11e: {  	[tilespmem:s16+$0x60] =	vst v18  }
0x11f: {  	[tilespmem:s16+$0x70] =	vst v16  }
0x120: {  	[tilespmem:s16+$0xFFFFFF00] =	vst v17  }
0x121: {  	[tilespmem:s16+$0xFFFFFF20] =	vst v15  }
0x122: {  	[tilespmem:s16+$0xFFFFFF30] =	vst v8  }
0x123: {  	[tilespmem:s16+$0xFFFFFF40] =	vst v10  }
0x124: {  	[tilespmem:s16+$0xFFFFFF50] =	vst v13  }
0x125: {  	[tilespmem:s16+$0xFFFFFF60] =	vst v12  }
0x126: {  	s17 =	simm.s32 $0x180;
	[tilespmem:s16+$0xFFFFFF70] =	vst v11  }
0x127: {  	s18 =	simm.s32 $0x0;
	v8 =	vadd.s32 s17, v0;
	s16 =	rddreg [dreg:$0xe]  }
0x128: {  	v9 =	vadd.s32 s17, v3;
	[hbm4b:s16+s18] =	stream.linear.scatter [tilespmem:s22], [sflag:$0xB], $0x2000, $0x38;
	[tilespmem:$0x10080] =	vst v63  }
0x129: {  	v10 =	vadd.s32 s17, v1;
	_ =	swait.ge [sflag:s1], $0x2000  }
0x12a: {  	v11 =	vadd.s32 s17, v2;
	[sflag:s1] =	ssyncset.done $0x0  }
0x12b: {  	v12 =	vadd.s32 s17, v4;
	[sflag:s1] =	ssyncadd.s32 $0xFFFFE000  }
0x12c: {  	v13 =	vadd.s32 s17, v5;
	v8 =	vld.idx.msk [tilespmem:v8+s23+$0x0], $0xffff  }
0x12d: {  	v14 =	vadd.s32 s17, v6;
	v9 =	vld.idx.msk [tilespmem:v9+s23+$0x0], $0xffff  }
0x12e: {  	s19 =	simm.s32 $0x80;
	v15 =	vadd.s32 s17, v7;
	v10 =	vld.idx.msk [tilespmem:v10+s23+$0x0], $0xffff  }
0x12f: {  	v16 =	vadd.s32 s19, v0;
	v11 =	vld.idx.msk [tilespmem:v11+s23+$0x0], $0xffff  }
0x130: {  	v17 =	vadd.s32 s19, v1;
	v12 =	vld.idx.msk [tilespmem:v12+s23+$0x0], $0xffff  }
0x131: {  	v18 =	vadd.s32 s19, v2;
	v13 =	vld.idx.msk [tilespmem:v13+s23+$0x0], $0xffff  }
0x132: {  	v19 =	vadd.s32 s19, v4;
	v14 =	vld.idx.msk [tilespmem:v14+s23+$0x0], $0xffff  }
0x133: {  	v20 =	vadd.s32 s19, v5;
	s16 =	simm.s32 $0x6100;
	v15 =	vld.idx.msk [tilespmem:v15+s23+$0x0], $0xffff  }
0x134: {  	v21 =	vadd.s32 s19, v6;
	[tilespmem:s16+$0xF0] =	vst v9;
	v9 =	vld.idx.msk [tilespmem:v16+s23+$0x0], $0xffff  }
0x135: {  	v16 =	vadd.s32 s19, v7;
	[tilespmem:s16+$0x80] =	vst v8;
	v8 =	vld.idx.msk [tilespmem:v17+s23+$0x0], $0xffff  }
0x136: {  	s30 =	simm.s32 $0x100;
	v17 =	vadd.s32 s19, v3;
	[tilespmem:s16+$0x90] =	vst v10;
	v10 =	vld.idx.msk [tilespmem:v18+s23+$0x0], $0xffff  }
0x137: {  	v18 =	vadd.s32 s30, v0;
	[tilespmem:s16+$0xA0] =	vst v11;
	v11 =	vld.idx.msk [tilespmem:v19+s23+$0x0], $0xffff  }
0x138: {  	v19 =	vadd.s32 s30, v1;
	[tilespmem:s16+$0xB0] =	vst v12;
	v12 =	vld.idx.msk [tilespmem:v20+s23+$0x0], $0xffff  }
0x139: {  	v20 =	vadd.s32 s30, v2;
	[tilespmem:s16+$0xC0] =	vst v13;
	v13 =	vld.idx.msk [tilespmem:v21+s23+$0x0], $0xffff  }
0x13a: {  	v21 =	vadd.s32 s30, v4;
	[tilespmem:s16+$0xD0] =	vst v14;
	v14 =	vld.idx.msk [tilespmem:v16+s23+$0x0], $0xffff  }
0x13b: {  	[tilespmem:s16+$0xE0] =	vst v15;
	v16 =	vadd.s32 s30, v5;
	v15 =	vld.idx.msk [tilespmem:v17+s23+$0x0], $0xffff  }
0x13c: {  	v17 =	vadd.s32 s30, v6;
	[tilespmem:s16+$0xFFFFFF80] =	vst v9;
	v22 =	vld.idx.msk [tilespmem:v18+s23+$0x0], $0xffff  }
0x13d: {  	[tilespmem:s16+$0xFFFFFF90] =	vst v8;
	v23 =	vld.idx.msk [tilespmem:v19+s23+$0x0], $0xffff;
	v8 =	vadd.s32 s30, v3  }
0x13e: {  	v9 =	vadd.s32 s30, v7;
	[tilespmem:s16+$0xFFFFFFA0] =	vst v10;
	v10 =	vld.idx.msk [tilespmem:v20+s23+$0x0], $0xffff  }
0x13f: {  	v24 =	vadd.s32 s18, v1;
	[tilespmem:s16+$0xFFFFFFB0] =	vst v11;
	v21 =	vld.idx.msk [tilespmem:v21+s23+$0x0], $0xffff  }
0x140: {  	v11 =	vadd.s32 s18, v0;
	[tilespmem:s16+$0xFFFFFFC0] =	vst v12;
	v20 =	vld.idx.msk [tilespmem:v16+s23+$0x0], $0xffff  }
0x141: {  	v25 =	vadd.s32 s18, v2;
	[tilespmem:s16+$0xFFFFFFD0] =	vst v13;
	v19 =	vld.idx.msk [tilespmem:v17+s23+$0x0], $0xffff  }
0x142: {  	[tilespmem:s16+$0xFFFFFFE0] =	vst v14;
	v16 =	vld.idx.msk [tilespmem:v8+s23+$0x0], $0xffff;
	v8 =	vadd.s32 s18, v4  }
0x143: {  	v18 =	vld.idx.msk [tilespmem:v9+s23+$0x0], $0xffff;
	[tilespmem:s16+$0xFFFFFFF0] =	vst v15;
	v14 =	vadd.s32 s18, v5  }
0x144: {  	v13 =	vadd.s32 s18, v6;
	v9 =	vld.idx.msk [tilespmem:v24+s23+$0x0], $0xffff;
	[tilespmem:s16+$0x0] =	vst v22  }
0x145: {  	v12 =	vadd.s32 s18, v7;
	v17 =	vld.idx.msk [tilespmem:v11+s23+$0x0], $0xffff;
	[tilespmem:s16+$0x10] =	vst v23  }
0x146: {  	s17 =	simm.s32 $0x0;
	v11 =	vadd.s32 s18, v3;
	v15 =	vld.idx.msk [tilespmem:v25+s23+$0x0], $0xffff;
	[tilespmem:s16+$0x20] =	vst v10;
	s18 =	simm.s32 $0x200  }
.LBB2_8:
0x147: {  	v22 =	vadd.s32 s18, v1;
	v10 =	vadd.s32 s18, v2;
	s19 =	sadd.s32 $0x80, s18;
	s20 =	sadd.s32 $0x100, s18;
	s30 =	sadd.s32 $0x180, s18;
	v23 =	vld.idx.msk [tilespmem:v8+s23+$0x0], $0xffff;
	v8 =	vadd.s32 s18, v4;
	[tilespmem:s16+$0x30] =	vst v21  }
0x148: {  	s17 =	sadd.s32 $0x4, s17;
	v21 =	vadd.s32 s19, v0;
	v24 =	vadd.s32 s19, v1;
	v25 =	vadd.s32 s30, v0;
	v26 =	vld.idx.msk [tilespmem:v14+s23+$0x0], $0xffff;
	[tilespmem:s16+$0x40] =	vst v20  }
0x149: {  	v20 =	vadd.s32 s19, v2;
	v27 =	vadd.s32 s19, v4;
	v14 =	vadd.s32 s30, v3;
	p0 =	slt.u32 s17, $0x3C;
	v28 =	vld.idx.msk [tilespmem:v13+s23+$0x0], $0xffff;
	[tilespmem:s16+$0x50] =	vst v19  }
0x14a: {  	v29 =	vadd.s32 s19, v6;
	v19 =	vadd.s32 s19, v5;
	v13 =	vadd.s32 s30, v1;
	v30 =	vld.idx.msk [tilespmem:v12+s23+$0x0], $0xffff;
	[tilespmem:s16+$0x60] =	vst v18  }
0x14b: {  	v31 =	vadd.s32 s19, v3;
	v32 =	vadd.s32 s30, v2;
	v18 =	vadd.s32 s19, v7;
	v33 =	vld.idx.msk [tilespmem:v11+s23+$0x0], $0xffff;
	[tilespmem:s16+$0x70] =	vst v16  }
0x14c: {  	v34 =	vadd.s32 s20, v1;
	v35 =	vadd.s32 s30, v4;
	v16 =	vld.idx.msk [tilespmem:v22+s23+$0x0], $0xffff;
	v22 =	vadd.s32 s20, v0;
	[tilespmem:s16+$0xFFFFFF00] =	vst v17  }
0x14d: {  	v36 =	vadd.s32 s20, v4;
	v37 =	vadd.s32 s30, v5;
	v17 =	vadd.s32 s20, v2;
	v25 =	vld.idx.msk [tilespmem:v25+s23+$0x0], $0xffff;
	[tilespmem:s16+$0xFFFFFF10] =	vst v9  }
0x14e: {  	v38 =	vadd.s32 s20, v5;
	v39 =	vadd.s32 s20, v6;
	v40 =	vadd.s32 s30, v6;
	v41 =	vld.idx.msk [tilespmem:v14+s23+$0x0], $0xffff;
	[tilespmem:s16+$0xFFFFFF20] =	vst v15  }
0x14f: {  	v42 =	vadd.s32 s20, v3;
	v44 =	vadd.s32 s30, v7;
	v15 =	vadd.s32 s20, v7;
	v43 =	vld.idx.msk [tilespmem:v13+s23+$0x0], $0xffff;
	[tilespmem:s16+$0xFFFFFF30] =	vst v23  }
0x150: {  	v12 =	vadd.s32 s18, v7;
	v14 =	vadd.s32 s18, v5;
	v13 =	vadd.s32 s18, v6;
	v23 =	vld.idx.msk [tilespmem:v32+s23+$0x0], $0xffff;
	[tilespmem:s16+$0xFFFFFF40] =	vst v26  }
0x151: {  	v11 =	vadd.s32 s18, v3;
	v26 =	vadd.s32 s18, v0;
	v32 =	vld.idx.msk [tilespmem:v35+s23+$0x0], $0xffff;
	[tilespmem:s16+$0xFFFFFF50] =	vst v28  }
0x152: {  	v9 =	vmov v16;
	v28 =	vld.idx.msk [tilespmem:v37+s23+$0x0], $0xffff;
	[tilespmem:s16+$0xFFFFFF60] =	vst v30  }
0x153: {  	v16 =	vld.idx.msk [tilespmem:v40+s23+$0x0], $0xffff;
	[tilespmem:s16+$0xFFFFFF70] =	vst v33;
	s16 =	sadd.s32 $0x200, s16  }
0x154: {  	v30 =	vld.idx.msk [tilespmem:v44+s23+$0x0], $0xffff;
	[tilespmem:s16+$0xF0] =	vst v41  }
0x155: {  	v21 =	vld.idx.msk [tilespmem:v21+s23+$0x0], $0xffff;
	[tilespmem:s16+$0x80] =	vst v25  }
0x156: {  	v24 =	vld.idx.msk [tilespmem:v24+s23+$0x0], $0xffff;
	[tilespmem:s16+$0x90] =	vst v43  }
0x157: {  	v20 =	vld.idx.msk [tilespmem:v20+s23+$0x0], $0xffff;
	[tilespmem:s16+$0xA0] =	vst v23  }
0x158: {  	v23 =	vld.idx.msk [tilespmem:v27+s23+$0x0], $0xffff;
	[tilespmem:s16+$0xB0] =	vst v32  }
0x159: {  	v19 =	vld.idx.msk [tilespmem:v19+s23+$0x0], $0xffff;
	[tilespmem:s16+$0xC0] =	vst v28  }
0x15a: {  	v25 =	vld.idx.msk [tilespmem:v29+s23+$0x0], $0xffff;
	[tilespmem:s16+$0xD0] =	vst v16  }
0x15b: {  	v16 =	vld.idx.msk [tilespmem:v18+s23+$0x0], $0xffff;
	[tilespmem:s16+$0xE0] =	vst v30  }
0x15c: {  	v18 =	vld.idx.msk [tilespmem:v31+s23+$0x0], $0xffff;
	[tilespmem:s16+$0xFFFFFF80] =	vst v21  }
0x15d: {  	[tilespmem:s16+$0xFFFFFF90] =	vst v24;
	v22 =	vld.idx.msk [tilespmem:v22+s23+$0x0], $0xffff  }
0x15e: {  	[tilespmem:s16+$0xFFFFFFA0] =	vst v20;
	v24 =	vld.idx.msk [tilespmem:v34+s23+$0x0], $0xffff  }
0x15f: {  	[tilespmem:s16+$0xFFFFFFB0] =	vst v23;
	v23 =	vld.idx.msk [tilespmem:v17+s23+$0x0], $0xffff  }
0x160: {  	[tilespmem:s16+$0xFFFFFFC0] =	vst v19;
	v21 =	vld.idx.msk [tilespmem:v36+s23+$0x0], $0xffff  }
0x161: {  	[tilespmem:s16+$0xFFFFFFD0] =	vst v25;
	v20 =	vld.idx.msk [tilespmem:v38+s23+$0x0], $0xffff  }
.Ltmp3:
0x162: {  	[tilespmem:s16+$0xFFFFFFE0] =	vst v16;
	v19 =	vld.idx.msk [tilespmem:v39+s23+$0x0], $0xffff;
	(pc) =	sbr.rel @p0 .LBB2_8-.Ltmp3, $4  }
0x163: {  	[tilespmem:s16+$0xFFFFFFF0] =	vst v18;
	v18 =	vld.idx.msk [tilespmem:v15+s23+$0x0], $0xffff  }
0x164: {  	v16 =	vld.idx.msk [tilespmem:v42+s23+$0x0], $0xffff;
	[tilespmem:s16+$0x0] =	vst v22  }
0x165: {  	v17 =	vld.idx.msk [tilespmem:v26+s23+$0x0], $0xffff;
	[tilespmem:s16+$0x10] =	vst v24  }
0x166: {  	s18 =	sadd.s32 $0x200, s18;
	v15 =	vld.idx.msk [tilespmem:v10+s23+$0x0], $0xffff;
	[tilespmem:s16+$0x20] =	vst v23  }
0x167: {  	_ =	sdelay $0x3  }
0x168: {  	v8 =	vld.idx.msk [tilespmem:v8+s23+$0x0], $0xffff  }
0x169: {  	[tilespmem:s16+$0x30] =	vst v21;
	v10 =	vld.idx.msk [tilespmem:v14+s23+$0x0], $0xffff  }
0x16a: {  	[tilespmem:s16+$0x40] =	vst v20;
	v13 =	vld.idx.msk [tilespmem:v13+s23+$0x0], $0xffff  }
0x16b: {  	[tilespmem:s16+$0x50] =	vst v19;
	v12 =	vld.idx.msk [tilespmem:v12+s23+$0x0], $0xffff  }
0x16c: {  	v11 =	vld.idx.msk [tilespmem:v11+s23+$0x0], $0xffff;
	[tilespmem:s16+$0xFFFFFF10] =	vst v9  }
0x16d: {  	[tilespmem:s16+$0x60] =	vst v18  }
0x16e: {  	[tilespmem:s16+$0x70] =	vst v16  }
0x16f: {  	[tilespmem:s16+$0xFFFFFF00] =	vst v17  }
0x170: {  	[tilespmem:s16+$0xFFFFFF20] =	vst v15  }
0x171: {  	[tilespmem:s16+$0xFFFFFF30] =	vst v8  }
0x172: {  	[tilespmem:s16+$0xFFFFFF40] =	vst v10  }
0x173: {  	[tilespmem:s16+$0xFFFFFF50] =	vst v13  }
0x174: {  	[tilespmem:s16+$0xFFFFFF60] =	vst v12  }
0x175: {  	s17 =	simm.s32 $0x180;
	[tilespmem:s16+$0xFFFFFF70] =	vst v11  }
0x176: {  	s18 =	simm.s32 $0x0;
	v8 =	vadd.s32 s17, v0;
	s16 =	rddreg [dreg:$0xf]  }
0x177: {  	v9 =	vadd.s32 s17, v3;
	[hbm4b:s16+s18] =	stream.linear.scatter [tilespmem:s23], [sflag:$0xC], $0x2000, $0x38;
	[tilespmem:$0x10080] =	vst v63  }
0x178: {  	v10 =	vadd.s32 s17, v1;
	_ =	swait.ge [sflag:s29], $0x2000  }
0x179: {  	v11 =	vadd.s32 s17, v2;
	[sflag:s29] =	ssyncset.done $0x0  }
0x17a: {  	v12 =	vadd.s32 s17, v4;
	[sflag:s29] =	ssyncadd.s32 $0xFFFFE000  }
0x17b: {  	v13 =	vadd.s32 s17, v5;
	v8 =	vld.idx.msk [tilespmem:v8+s24+$0x0], $0xffff  }
0x17c: {  	v14 =	vadd.s32 s17, v6;
	v9 =	vld.idx.msk [tilespmem:v9+s24+$0x0], $0xffff  }
0x17d: {  	s19 =	simm.s32 $0x80;
	v15 =	vadd.s32 s17, v7;
	v10 =	vld.idx.msk [tilespmem:v10+s24+$0x0], $0xffff  }
0x17e: {  	v16 =	vadd.s32 s19, v0;
	v11 =	vld.idx.msk [tilespmem:v11+s24+$0x0], $0xffff  }
0x17f: {  	v17 =	vadd.s32 s19, v1;
	v12 =	vld.idx.msk [tilespmem:v12+s24+$0x0], $0xffff  }
0x180: {  	v18 =	vadd.s32 s19, v2;
	v13 =	vld.idx.msk [tilespmem:v13+s24+$0x0], $0xffff  }
0x181: {  	v19 =	vadd.s32 s19, v4;
	v14 =	vld.idx.msk [tilespmem:v14+s24+$0x0], $0xffff  }
0x182: {  	v20 =	vadd.s32 s19, v5;
	s16 =	simm.s32 $0x8100;
	v15 =	vld.idx.msk [tilespmem:v15+s24+$0x0], $0xffff  }
0x183: {  	v21 =	vadd.s32 s19, v6;
	[tilespmem:s16+$0xF0] =	vst v9;
	v9 =	vld.idx.msk [tilespmem:v16+s24+$0x0], $0xffff  }
0x184: {  	v16 =	vadd.s32 s19, v7;
	[tilespmem:s16+$0x80] =	vst v8;
	v8 =	vld.idx.msk [tilespmem:v17+s24+$0x0], $0xffff  }
0x185: {  	s30 =	simm.s32 $0x100;
	v17 =	vadd.s32 s19, v3;
	[tilespmem:s16+$0x90] =	vst v10;
	v10 =	vld.idx.msk [tilespmem:v18+s24+$0x0], $0xffff  }
0x186: {  	v18 =	vadd.s32 s30, v0;
	[tilespmem:s16+$0xA0] =	vst v11;
	v11 =	vld.idx.msk [tilespmem:v19+s24+$0x0], $0xffff  }
0x187: {  	v19 =	vadd.s32 s30, v1;
	[tilespmem:s16+$0xB0] =	vst v12;
	v12 =	vld.idx.msk [tilespmem:v20+s24+$0x0], $0xffff  }
0x188: {  	v20 =	vadd.s32 s30, v2;
	[tilespmem:s16+$0xC0] =	vst v13;
	v13 =	vld.idx.msk [tilespmem:v21+s24+$0x0], $0xffff  }
0x189: {  	v21 =	vadd.s32 s30, v4;
	[tilespmem:s16+$0xD0] =	vst v14;
	v14 =	vld.idx.msk [tilespmem:v16+s24+$0x0], $0xffff  }
0x18a: {  	[tilespmem:s16+$0xE0] =	vst v15;
	v16 =	vadd.s32 s30, v5;
	v15 =	vld.idx.msk [tilespmem:v17+s24+$0x0], $0xffff  }
0x18b: {  	v17 =	vadd.s32 s30, v6;
	[tilespmem:s16+$0xFFFFFF80] =	vst v9;
	v22 =	vld.idx.msk [tilespmem:v18+s24+$0x0], $0xffff  }
0x18c: {  	[tilespmem:s16+$0xFFFFFF90] =	vst v8;
	v23 =	vld.idx.msk [tilespmem:v19+s24+$0x0], $0xffff;
	v8 =	vadd.s32 s30, v3  }
0x18d: {  	v9 =	vadd.s32 s30, v7;
	[tilespmem:s16+$0xFFFFFFA0] =	vst v10;
	v10 =	vld.idx.msk [tilespmem:v20+s24+$0x0], $0xffff  }
0x18e: {  	v24 =	vadd.s32 s18, v1;
	[tilespmem:s16+$0xFFFFFFB0] =	vst v11;
	v21 =	vld.idx.msk [tilespmem:v21+s24+$0x0], $0xffff  }
0x18f: {  	v11 =	vadd.s32 s18, v0;
	[tilespmem:s16+$0xFFFFFFC0] =	vst v12;
	v20 =	vld.idx.msk [tilespmem:v16+s24+$0x0], $0xffff  }
0x190: {  	v25 =	vadd.s32 s18, v2;
	[tilespmem:s16+$0xFFFFFFD0] =	vst v13;
	v19 =	vld.idx.msk [tilespmem:v17+s24+$0x0], $0xffff  }
0x191: {  	[tilespmem:s16+$0xFFFFFFE0] =	vst v14;
	v16 =	vld.idx.msk [tilespmem:v8+s24+$0x0], $0xffff;
	v8 =	vadd.s32 s18, v4  }
0x192: {  	v18 =	vld.idx.msk [tilespmem:v9+s24+$0x0], $0xffff;
	[tilespmem:s16+$0xFFFFFFF0] =	vst v15;
	v14 =	vadd.s32 s18, v5  }
0x193: {  	v13 =	vadd.s32 s18, v6;
	v9 =	vld.idx.msk [tilespmem:v24+s24+$0x0], $0xffff;
	[tilespmem:s16+$0x0] =	vst v22  }
0x194: {  	v12 =	vadd.s32 s18, v7;
	v17 =	vld.idx.msk [tilespmem:v11+s24+$0x0], $0xffff;
	[tilespmem:s16+$0x10] =	vst v23  }
0x195: {  	s17 =	simm.s32 $0x0;
	v11 =	vadd.s32 s18, v3;
	v15 =	vld.idx.msk [tilespmem:v25+s24+$0x0], $0xffff;
	[tilespmem:s16+$0x20] =	vst v10;
	s18 =	simm.s32 $0x200  }
.LBB2_10:
0x196: {  	v22 =	vadd.s32 s18, v1;
	v10 =	vadd.s32 s18, v2;
	s19 =	sadd.s32 $0x80, s18;
	s20 =	sadd.s32 $0x100, s18;
	s30 =	sadd.s32 $0x180, s18;
	v23 =	vld.idx.msk [tilespmem:v8+s24+$0x0], $0xffff;
	v8 =	vadd.s32 s18, v4;
	[tilespmem:s16+$0x30] =	vst v21  }
0x197: {  	s17 =	sadd.s32 $0x4, s17;
	v21 =	vadd.s32 s19, v0;
	v24 =	vadd.s32 s19, v1;
	v25 =	vadd.s32 s30, v0;
	v26 =	vld.idx.msk [tilespmem:v14+s24+$0x0], $0xffff;
	[tilespmem:s16+$0x40] =	vst v20  }
0x198: {  	v20 =	vadd.s32 s19, v2;
	v27 =	vadd.s32 s19, v4;
	v14 =	vadd.s32 s30, v3;
	p0 =	slt.u32 s17, $0x3C;
	v28 =	vld.idx.msk [tilespmem:v13+s24+$0x0], $0xffff;
	[tilespmem:s16+$0x50] =	vst v19  }
0x199: {  	v29 =	vadd.s32 s19, v6;
	v19 =	vadd.s32 s19, v5;
	v13 =	vadd.s32 s30, v1;
	v30 =	vld.idx.msk [tilespmem:v12+s24+$0x0], $0xffff;
	[tilespmem:s16+$0x60] =	vst v18  }
0x19a: {  	v31 =	vadd.s32 s19, v3;
	v32 =	vadd.s32 s30, v2;
	v18 =	vadd.s32 s19, v7;
	v33 =	vld.idx.msk [tilespmem:v11+s24+$0x0], $0xffff;
	[tilespmem:s16+$0x70] =	vst v16  }
0x19b: {  	v34 =	vadd.s32 s20, v1;
	v35 =	vadd.s32 s30, v4;
	v16 =	vld.idx.msk [tilespmem:v22+s24+$0x0], $0xffff;
	v22 =	vadd.s32 s20, v0;
	[tilespmem:s16+$0xFFFFFF00] =	vst v17  }
0x19c: {  	v36 =	vadd.s32 s20, v4;
	v37 =	vadd.s32 s30, v5;
	v17 =	vadd.s32 s20, v2;
	v25 =	vld.idx.msk [tilespmem:v25+s24+$0x0], $0xffff;
	[tilespmem:s16+$0xFFFFFF10] =	vst v9  }
0x19d: {  	v38 =	vadd.s32 s20, v5;
	v39 =	vadd.s32 s20, v6;
	v40 =	vadd.s32 s30, v6;
	v41 =	vld.idx.msk [tilespmem:v14+s24+$0x0], $0xffff;
	[tilespmem:s16+$0xFFFFFF20] =	vst v15  }
0x19e: {  	v42 =	vadd.s32 s20, v3;
	v44 =	vadd.s32 s30, v7;
	v15 =	vadd.s32 s20, v7;
	v43 =	vld.idx.msk [tilespmem:v13+s24+$0x0], $0xffff;
	[tilespmem:s16+$0xFFFFFF30] =	vst v23  }
0x19f: {  	v12 =	vadd.s32 s18, v7;
	v14 =	vadd.s32 s18, v5;
	v13 =	vadd.s32 s18, v6;
	v23 =	vld.idx.msk [tilespmem:v32+s24+$0x0], $0xffff;
	[tilespmem:s16+$0xFFFFFF40] =	vst v26  }
0x1a0: {  	v11 =	vadd.s32 s18, v3;
	v26 =	vadd.s32 s18, v0;
	v32 =	vld.idx.msk [tilespmem:v35+s24+$0x0], $0xffff;
	[tilespmem:s16+$0xFFFFFF50] =	vst v28  }
0x1a1: {  	v9 =	vmov v16;
	v28 =	vld.idx.msk [tilespmem:v37+s24+$0x0], $0xffff;
	[tilespmem:s16+$0xFFFFFF60] =	vst v30  }
0x1a2: {  	v16 =	vld.idx.msk [tilespmem:v40+s24+$0x0], $0xffff;
	[tilespmem:s16+$0xFFFFFF70] =	vst v33;
	s16 =	sadd.s32 $0x200, s16  }
0x1a3: {  	v30 =	vld.idx.msk [tilespmem:v44+s24+$0x0], $0xffff;
	[tilespmem:s16+$0xF0] =	vst v41  }
0x1a4: {  	v21 =	vld.idx.msk [tilespmem:v21+s24+$0x0], $0xffff;
	[tilespmem:s16+$0x80] =	vst v25  }
0x1a5: {  	v24 =	vld.idx.msk [tilespmem:v24+s24+$0x0], $0xffff;
	[tilespmem:s16+$0x90] =	vst v43  }
0x1a6: {  	v20 =	vld.idx.msk [tilespmem:v20+s24+$0x0], $0xffff;
	[tilespmem:s16+$0xA0] =	vst v23  }
0x1a7: {  	v23 =	vld.idx.msk [tilespmem:v27+s24+$0x0], $0xffff;
	[tilespmem:s16+$0xB0] =	vst v32  }
0x1a8: {  	v19 =	vld.idx.msk [tilespmem:v19+s24+$0x0], $0xffff;
	[tilespmem:s16+$0xC0] =	vst v28  }
0x1a9: {  	v25 =	vld.idx.msk [tilespmem:v29+s24+$0x0], $0xffff;
	[tilespmem:s16+$0xD0] =	vst v16  }
0x1aa: {  	v16 =	vld.idx.msk [tilespmem:v18+s24+$0x0], $0xffff;
	[tilespmem:s16+$0xE0] =	vst v30  }
0x1ab: {  	v18 =	vld.idx.msk [tilespmem:v31+s24+$0x0], $0xffff;
	[tilespmem:s16+$0xFFFFFF80] =	vst v21  }
0x1ac: {  	[tilespmem:s16+$0xFFFFFF90] =	vst v24;
	v22 =	vld.idx.msk [tilespmem:v22+s24+$0x0], $0xffff  }
0x1ad: {  	[tilespmem:s16+$0xFFFFFFA0] =	vst v20;
	v24 =	vld.idx.msk [tilespmem:v34+s24+$0x0], $0xffff  }
0x1ae: {  	[tilespmem:s16+$0xFFFFFFB0] =	vst v23;
	v23 =	vld.idx.msk [tilespmem:v17+s24+$0x0], $0xffff  }
0x1af: {  	[tilespmem:s16+$0xFFFFFFC0] =	vst v19;
	v21 =	vld.idx.msk [tilespmem:v36+s24+$0x0], $0xffff  }
0x1b0: {  	[tilespmem:s16+$0xFFFFFFD0] =	vst v25;
	v20 =	vld.idx.msk [tilespmem:v38+s24+$0x0], $0xffff  }
.Ltmp4:
0x1b1: {  	[tilespmem:s16+$0xFFFFFFE0] =	vst v16;
	v19 =	vld.idx.msk [tilespmem:v39+s24+$0x0], $0xffff;
	(pc) =	sbr.rel @p0 .LBB2_10-.Ltmp4, $4  }
0x1b2: {  	[tilespmem:s16+$0xFFFFFFF0] =	vst v18;
	v18 =	vld.idx.msk [tilespmem:v15+s24+$0x0], $0xffff  }
0x1b3: {  	v16 =	vld.idx.msk [tilespmem:v42+s24+$0x0], $0xffff;
	[tilespmem:s16+$0x0] =	vst v22  }
0x1b4: {  	v17 =	vld.idx.msk [tilespmem:v26+s24+$0x0], $0xffff;
	[tilespmem:s16+$0x10] =	vst v24  }
0x1b5: {  	s18 =	sadd.s32 $0x200, s18;
	v15 =	vld.idx.msk [tilespmem:v10+s24+$0x0], $0xffff;
	[tilespmem:s16+$0x20] =	vst v23  }
0x1b6: {  	_ =	sdelay $0x3  }
0x1b7: {  	v8 =	vld.idx.msk [tilespmem:v8+s24+$0x0], $0xffff  }
0x1b8: {  	[tilespmem:s16+$0x30] =	vst v21;
	v10 =	vld.idx.msk [tilespmem:v14+s24+$0x0], $0xffff  }
0x1b9: {  	[tilespmem:s16+$0x40] =	vst v20;
	v13 =	vld.idx.msk [tilespmem:v13+s24+$0x0], $0xffff  }
0x1ba: {  	[tilespmem:s16+$0x50] =	vst v19;
	v12 =	vld.idx.msk [tilespmem:v12+s24+$0x0], $0xffff  }
0x1bb: {  	v11 =	vld.idx.msk [tilespmem:v11+s24+$0x0], $0xffff;
	[tilespmem:s16+$0xFFFFFF10] =	vst v9  }
0x1bc: {  	[tilespmem:s16+$0x60] =	vst v18  }
0x1bd: {  	[tilespmem:s16+$0x70] =	vst v16  }
0x1be: {  	[tilespmem:s16+$0xFFFFFF00] =	vst v17  }
0x1bf: {  	[tilespmem:s16+$0xFFFFFF20] =	vst v15  }
0x1c0: {  	[tilespmem:s16+$0xFFFFFF30] =	vst v8  }
0x1c1: {  	[tilespmem:s16+$0xFFFFFF40] =	vst v10  }
0x1c2: {  	[tilespmem:s16+$0xFFFFFF50] =	vst v13  }
0x1c3: {  	[tilespmem:s16+$0xFFFFFF60] =	vst v12  }
0x1c4: {  	s17 =	simm.s32 $0x180;
	[tilespmem:s16+$0xFFFFFF70] =	vst v11  }
0x1c5: {  	s18 =	simm.s32 $0x0;
	v8 =	vadd.s32 s17, v0;
	s16 =	rddreg [dreg:$0x10]  }
0x1c6: {  	v9 =	vadd.s32 s17, v3;
	[hbm4b:s16+s18] =	stream.linear.scatter [tilespmem:s24], [sflag:$0xD], $0x2000, $0x38;
	[tilespmem:$0x10080] =	vst v63  }
0x1c7: {  	v10 =	vadd.s32 s17, v1;
	_ =	swait.ge [sflag:s4], $0x2000  }
0x1c8: {  	v11 =	vadd.s32 s17, v2;
	[sflag:s4] =	ssyncset.done $0x0  }
0x1c9: {  	v12 =	vadd.s32 s17, v4;
	[sflag:s4] =	ssyncadd.s32 $0xFFFFE000  }
0x1ca: {  	v13 =	vadd.s32 s17, v5;
	v8 =	vld.idx.msk [tilespmem:v8+s25+$0x0], $0xffff  }
0x1cb: {  	v14 =	vadd.s32 s17, v6;
	v9 =	vld.idx.msk [tilespmem:v9+s25+$0x0], $0xffff  }
0x1cc: {  	s19 =	simm.s32 $0x80;
	v15 =	vadd.s32 s17, v7;
	v10 =	vld.idx.msk [tilespmem:v10+s25+$0x0], $0xffff  }
0x1cd: {  	v16 =	vadd.s32 s19, v0;
	v11 =	vld.idx.msk [tilespmem:v11+s25+$0x0], $0xffff  }
0x1ce: {  	v17 =	vadd.s32 s19, v1;
	v12 =	vld.idx.msk [tilespmem:v12+s25+$0x0], $0xffff  }
0x1cf: {  	v18 =	vadd.s32 s19, v2;
	v13 =	vld.idx.msk [tilespmem:v13+s25+$0x0], $0xffff  }
0x1d0: {  	v19 =	vadd.s32 s19, v4;
	v14 =	vld.idx.msk [tilespmem:v14+s25+$0x0], $0xffff  }
0x1d1: {  	v20 =	vadd.s32 s19, v5;
	s16 =	simm.s32 $0xA100;
	v15 =	vld.idx.msk [tilespmem:v15+s25+$0x0], $0xffff  }
0x1d2: {  	v21 =	vadd.s32 s19, v6;
	[tilespmem:s16+$0xF0] =	vst v9;
	v9 =	vld.idx.msk [tilespmem:v16+s25+$0x0], $0xffff  }
0x1d3: {  	v16 =	vadd.s32 s19, v7;
	[tilespmem:s16+$0x80] =	vst v8;
	v8 =	vld.idx.msk [tilespmem:v17+s25+$0x0], $0xffff  }
0x1d4: {  	s30 =	simm.s32 $0x100;
	v17 =	vadd.s32 s19, v3;
	[tilespmem:s16+$0x90] =	vst v10;
	v10 =	vld.idx.msk [tilespmem:v18+s25+$0x0], $0xffff  }
0x1d5: {  	v18 =	vadd.s32 s30, v0;
	[tilespmem:s16+$0xA0] =	vst v11;
	v11 =	vld.idx.msk [tilespmem:v19+s25+$0x0], $0xffff  }
0x1d6: {  	v19 =	vadd.s32 s30, v1;
	[tilespmem:s16+$0xB0] =	vst v12;
	v12 =	vld.idx.msk [tilespmem:v20+s25+$0x0], $0xffff  }
0x1d7: {  	v20 =	vadd.s32 s30, v2;
	[tilespmem:s16+$0xC0] =	vst v13;
	v13 =	vld.idx.msk [tilespmem:v21+s25+$0x0], $0xffff  }
0x1d8: {  	v21 =	vadd.s32 s30, v4;
	[tilespmem:s16+$0xD0] =	vst v14;
	v14 =	vld.idx.msk [tilespmem:v16+s25+$0x0], $0xffff  }
0x1d9: {  	[tilespmem:s16+$0xE0] =	vst v15;
	v16 =	vadd.s32 s30, v5;
	v15 =	vld.idx.msk [tilespmem:v17+s25+$0x0], $0xffff  }
0x1da: {  	v17 =	vadd.s32 s30, v6;
	[tilespmem:s16+$0xFFFFFF80] =	vst v9;
	v22 =	vld.idx.msk [tilespmem:v18+s25+$0x0], $0xffff  }
0x1db: {  	[tilespmem:s16+$0xFFFFFF90] =	vst v8;
	v23 =	vld.idx.msk [tilespmem:v19+s25+$0x0], $0xffff;
	v8 =	vadd.s32 s30, v3  }
0x1dc: {  	v9 =	vadd.s32 s30, v7;
	[tilespmem:s16+$0xFFFFFFA0] =	vst v10;
	v10 =	vld.idx.msk [tilespmem:v20+s25+$0x0], $0xffff  }
0x1dd: {  	v24 =	vadd.s32 s18, v1;
	[tilespmem:s16+$0xFFFFFFB0] =	vst v11;
	v21 =	vld.idx.msk [tilespmem:v21+s25+$0x0], $0xffff  }
0x1de: {  	v11 =	vadd.s32 s18, v0;
	[tilespmem:s16+$0xFFFFFFC0] =	vst v12;
	v20 =	vld.idx.msk [tilespmem:v16+s25+$0x0], $0xffff  }
0x1df: {  	v25 =	vadd.s32 s18, v2;
	[tilespmem:s16+$0xFFFFFFD0] =	vst v13;
	v19 =	vld.idx.msk [tilespmem:v17+s25+$0x0], $0xffff  }
0x1e0: {  	[tilespmem:s16+$0xFFFFFFE0] =	vst v14;
	v16 =	vld.idx.msk [tilespmem:v8+s25+$0x0], $0xffff;
	v8 =	vadd.s32 s18, v4  }
0x1e1: {  	v18 =	vld.idx.msk [tilespmem:v9+s25+$0x0], $0xffff;
	[tilespmem:s16+$0xFFFFFFF0] =	vst v15;
	v14 =	vadd.s32 s18, v5  }
0x1e2: {  	v13 =	vadd.s32 s18, v6;
	v9 =	vld.idx.msk [tilespmem:v24+s25+$0x0], $0xffff;
	[tilespmem:s16+$0x0] =	vst v22  }
0x1e3: {  	v12 =	vadd.s32 s18, v7;
	v17 =	vld.idx.msk [tilespmem:v11+s25+$0x0], $0xffff;
	[tilespmem:s16+$0x10] =	vst v23  }
0x1e4: {  	s17 =	simm.s32 $0x0;
	v11 =	vadd.s32 s18, v3;
	v15 =	vld.idx.msk [tilespmem:v25+s25+$0x0], $0xffff;
	[tilespmem:s16+$0x20] =	vst v10;
	s18 =	simm.s32 $0x200  }
.LBB2_12:
0x1e5: {  	v22 =	vadd.s32 s18, v1;
	v10 =	vadd.s32 s18, v2;
	s19 =	sadd.s32 $0x80, s18;
	s20 =	sadd.s32 $0x100, s18;
	s30 =	sadd.s32 $0x180, s18;
	v23 =	vld.idx.msk [tilespmem:v8+s25+$0x0], $0xffff;
	v8 =	vadd.s32 s18, v4;
	[tilespmem:s16+$0x30] =	vst v21  }
0x1e6: {  	s17 =	sadd.s32 $0x4, s17;
	v21 =	vadd.s32 s19, v0;
	v24 =	vadd.s32 s19, v1;
	v25 =	vadd.s32 s30, v0;
	v26 =	vld.idx.msk [tilespmem:v14+s25+$0x0], $0xffff;
	[tilespmem:s16+$0x40] =	vst v20  }
0x1e7: {  	v20 =	vadd.s32 s19, v2;
	v27 =	vadd.s32 s19, v4;
	v14 =	vadd.s32 s30, v3;
	p0 =	slt.u32 s17, $0x3C;
	v28 =	vld.idx.msk [tilespmem:v13+s25+$0x0], $0xffff;
	[tilespmem:s16+$0x50] =	vst v19  }
0x1e8: {  	v29 =	vadd.s32 s19, v6;
	v19 =	vadd.s32 s19, v5;
	v13 =	vadd.s32 s30, v1;
	v30 =	vld.idx.msk [tilespmem:v12+s25+$0x0], $0xffff;
	[tilespmem:s16+$0x60] =	vst v18  }
0x1e9: {  	v31 =	vadd.s32 s19, v3;
	v32 =	vadd.s32 s30, v2;
	v18 =	vadd.s32 s19, v7;
	v33 =	vld.idx.msk [tilespmem:v11+s25+$0x0], $0xffff;
	[tilespmem:s16+$0x70] =	vst v16  }
0x1ea: {  	v34 =	vadd.s32 s20, v1;
	v35 =	vadd.s32 s30, v4;
	v16 =	vld.idx.msk [tilespmem:v22+s25+$0x0], $0xffff;
	v22 =	vadd.s32 s20, v0;
	[tilespmem:s16+$0xFFFFFF00] =	vst v17  }
0x1eb: {  	v36 =	vadd.s32 s20, v4;
	v37 =	vadd.s32 s30, v5;
	v17 =	vadd.s32 s20, v2;
	v25 =	vld.idx.msk [tilespmem:v25+s25+$0x0], $0xffff;
	[tilespmem:s16+$0xFFFFFF10] =	vst v9  }
0x1ec: {  	v38 =	vadd.s32 s20, v5;
	v39 =	vadd.s32 s20, v6;
	v40 =	vadd.s32 s30, v6;
	v41 =	vld.idx.msk [tilespmem:v14+s25+$0x0], $0xffff;
	[tilespmem:s16+$0xFFFFFF20] =	vst v15  }
0x1ed: {  	v42 =	vadd.s32 s20, v3;
	v44 =	vadd.s32 s30, v7;
	v15 =	vadd.s32 s20, v7;
	v43 =	vld.idx.msk [tilespmem:v13+s25+$0x0], $0xffff;
	[tilespmem:s16+$0xFFFFFF30] =	vst v23  }
0x1ee: {  	v12 =	vadd.s32 s18, v7;
	v14 =	vadd.s32 s18, v5;
	v13 =	vadd.s32 s18, v6;
	v23 =	vld.idx.msk [tilespmem:v32+s25+$0x0], $0xffff;
	[tilespmem:s16+$0xFFFFFF40] =	vst v26  }
0x1ef: {  	v11 =	vadd.s32 s18, v3;
	v26 =	vadd.s32 s18, v0;
	v32 =	vld.idx.msk [tilespmem:v35+s25+$0x0], $0xffff;
	[tilespmem:s16+$0xFFFFFF50] =	vst v28  }
0x1f0: {  	v9 =	vmov v16;
	v28 =	vld.idx.msk [tilespmem:v37+s25+$0x0], $0xffff;
	[tilespmem:s16+$0xFFFFFF60] =	vst v30  }
0x1f1: {  	v16 =	vld.idx.msk [tilespmem:v40+s25+$0x0], $0xffff;
	[tilespmem:s16+$0xFFFFFF70] =	vst v33;
	s16 =	sadd.s32 $0x200, s16  }
0x1f2: {  	v30 =	vld.idx.msk [tilespmem:v44+s25+$0x0], $0xffff;
	[tilespmem:s16+$0xF0] =	vst v41  }
0x1f3: {  	v21 =	vld.idx.msk [tilespmem:v21+s25+$0x0], $0xffff;
	[tilespmem:s16+$0x80] =	vst v25  }
0x1f4: {  	v24 =	vld.idx.msk [tilespmem:v24+s25+$0x0], $0xffff;
	[tilespmem:s16+$0x90] =	vst v43  }
0x1f5: {  	v20 =	vld.idx.msk [tilespmem:v20+s25+$0x0], $0xffff;
	[tilespmem:s16+$0xA0] =	vst v23  }
0x1f6: {  	v23 =	vld.idx.msk [tilespmem:v27+s25+$0x0], $0xffff;
	[tilespmem:s16+$0xB0] =	vst v32  }
0x1f7: {  	v19 =	vld.idx.msk [tilespmem:v19+s25+$0x0], $0xffff;
	[tilespmem:s16+$0xC0] =	vst v28  }
0x1f8: {  	v25 =	vld.idx.msk [tilespmem:v29+s25+$0x0], $0xffff;
	[tilespmem:s16+$0xD0] =	vst v16  }
0x1f9: {  	v16 =	vld.idx.msk [tilespmem:v18+s25+$0x0], $0xffff;
	[tilespmem:s16+$0xE0] =	vst v30  }
0x1fa: {  	v18 =	vld.idx.msk [tilespmem:v31+s25+$0x0], $0xffff;
	[tilespmem:s16+$0xFFFFFF80] =	vst v21  }
0x1fb: {  	[tilespmem:s16+$0xFFFFFF90] =	vst v24;
	v22 =	vld.idx.msk [tilespmem:v22+s25+$0x0], $0xffff  }
0x1fc: {  	[tilespmem:s16+$0xFFFFFFA0] =	vst v20;
	v24 =	vld.idx.msk [tilespmem:v34+s25+$0x0], $0xffff  }
0x1fd: {  	[tilespmem:s16+$0xFFFFFFB0] =	vst v23;
	v23 =	vld.idx.msk [tilespmem:v17+s25+$0x0], $0xffff  }
0x1fe: {  	[tilespmem:s16+$0xFFFFFFC0] =	vst v19;
	v21 =	vld.idx.msk [tilespmem:v36+s25+$0x0], $0xffff  }
0x1ff: {  	[tilespmem:s16+$0xFFFFFFD0] =	vst v25;
	v20 =	vld.idx.msk [tilespmem:v38+s25+$0x0], $0xffff  }
.Ltmp5:
0x200: {  	[tilespmem:s16+$0xFFFFFFE0] =	vst v16;
	v19 =	vld.idx.msk [tilespmem:v39+s25+$0x0], $0xffff;
	(pc) =	sbr.rel @p0 .LBB2_12-.Ltmp5, $4  }
0x201: {  	[tilespmem:s16+$0xFFFFFFF0] =	vst v18;
	v18 =	vld.idx.msk [tilespmem:v15+s25+$0x0], $0xffff  }
0x202: {  	v16 =	vld.idx.msk [tilespmem:v42+s25+$0x0], $0xffff;
	[tilespmem:s16+$0x0] =	vst v22  }
0x203: {  	v17 =	vld.idx.msk [tilespmem:v26+s25+$0x0], $0xffff;
	[tilespmem:s16+$0x10] =	vst v24  }
0x204: {  	s18 =	sadd.s32 $0x200, s18;
	v15 =	vld.idx.msk [tilespmem:v10+s25+$0x0], $0xffff;
	[tilespmem:s16+$0x20] =	vst v23  }
0x205: {  	_ =	sdelay $0x3  }
0x206: {  	v8 =	vld.idx.msk [tilespmem:v8+s25+$0x0], $0xffff  }
0x207: {  	[tilespmem:s16+$0x30] =	vst v21;
	v10 =	vld.idx.msk [tilespmem:v14+s25+$0x0], $0xffff  }
0x208: {  	[tilespmem:s16+$0x40] =	vst v20;
	v13 =	vld.idx.msk [tilespmem:v13+s25+$0x0], $0xffff  }
0x209: {  	[tilespmem:s16+$0x50] =	vst v19;
	v12 =	vld.idx.msk [tilespmem:v12+s25+$0x0], $0xffff  }
0x20a: {  	v11 =	vld.idx.msk [tilespmem:v11+s25+$0x0], $0xffff;
	[tilespmem:s16+$0xFFFFFF10] =	vst v9  }
0x20b: {  	[tilespmem:s16+$0x60] =	vst v18  }
0x20c: {  	[tilespmem:s16+$0x70] =	vst v16  }
0x20d: {  	[tilespmem:s16+$0xFFFFFF00] =	vst v17  }
0x20e: {  	[tilespmem:s16+$0xFFFFFF20] =	vst v15  }
0x20f: {  	[tilespmem:s16+$0xFFFFFF30] =	vst v8  }
0x210: {  	[tilespmem:s16+$0xFFFFFF40] =	vst v10  }
0x211: {  	[tilespmem:s16+$0xFFFFFF50] =	vst v13  }
0x212: {  	[tilespmem:s16+$0xFFFFFF60] =	vst v12  }
0x213: {  	s17 =	simm.s32 $0x180;
	[tilespmem:s16+$0xFFFFFF70] =	vst v11  }
0x214: {  	s18 =	simm.s32 $0x0;
	v8 =	vadd.s32 s17, v0;
	s16 =	rddreg [dreg:$0x11]  }
0x215: {  	v9 =	vadd.s32 s17, v3;
	[hbm4b:s16+s18] =	stream.linear.scatter [tilespmem:s25], [sflag:$0xE], $0x2000, $0x38;
	[tilespmem:$0x10080] =	vst v63  }
0x216: {  	v10 =	vadd.s32 s17, v1;
	_ =	swait.ge [sflag:s5], $0x2000  }
0x217: {  	v11 =	vadd.s32 s17, v2;
	[sflag:s5] =	ssyncset.done $0x0  }
0x218: {  	v12 =	vadd.s32 s17, v4;
	[sflag:s5] =	ssyncadd.s32 $0xFFFFE000  }
0x219: {  	v13 =	vadd.s32 s17, v5;
	v8 =	vld.idx.msk [tilespmem:v8+s26+$0x0], $0xffff  }
0x21a: {  	v14 =	vadd.s32 s17, v6;
	v9 =	vld.idx.msk [tilespmem:v9+s26+$0x0], $0xffff  }
0x21b: {  	s19 =	simm.s32 $0x80;
	v15 =	vadd.s32 s17, v7;
	v10 =	vld.idx.msk [tilespmem:v10+s26+$0x0], $0xffff  }
0x21c: {  	v16 =	vadd.s32 s19, v0;
	v11 =	vld.idx.msk [tilespmem:v11+s26+$0x0], $0xffff  }
0x21d: {  	v17 =	vadd.s32 s19, v1;
	v12 =	vld.idx.msk [tilespmem:v12+s26+$0x0], $0xffff  }
0x21e: {  	v18 =	vadd.s32 s19, v2;
	v13 =	vld.idx.msk [tilespmem:v13+s26+$0x0], $0xffff  }
0x21f: {  	v19 =	vadd.s32 s19, v4;
	v14 =	vld.idx.msk [tilespmem:v14+s26+$0x0], $0xffff  }
0x220: {  	v20 =	vadd.s32 s19, v5;
	s16 =	simm.s32 $0xC100;
	v15 =	vld.idx.msk [tilespmem:v15+s26+$0x0], $0xffff  }
0x221: {  	v21 =	vadd.s32 s19, v6;
	[tilespmem:s16+$0xF0] =	vst v9;
	v9 =	vld.idx.msk [tilespmem:v16+s26+$0x0], $0xffff  }
0x222: {  	v16 =	vadd.s32 s19, v7;
	[tilespmem:s16+$0x80] =	vst v8;
	v8 =	vld.idx.msk [tilespmem:v17+s26+$0x0], $0xffff  }
0x223: {  	s30 =	simm.s32 $0x100;
	v17 =	vadd.s32 s19, v3;
	[tilespmem:s16+$0x90] =	vst v10;
	v10 =	vld.idx.msk [tilespmem:v18+s26+$0x0], $0xffff  }
0x224: {  	v18 =	vadd.s32 s30, v0;
	[tilespmem:s16+$0xA0] =	vst v11;
	v11 =	vld.idx.msk [tilespmem:v19+s26+$0x0], $0xffff  }
0x225: {  	v19 =	vadd.s32 s30, v1;
	[tilespmem:s16+$0xB0] =	vst v12;
	v12 =	vld.idx.msk [tilespmem:v20+s26+$0x0], $0xffff  }
0x226: {  	v20 =	vadd.s32 s30, v2;
	[tilespmem:s16+$0xC0] =	vst v13;
	v13 =	vld.idx.msk [tilespmem:v21+s26+$0x0], $0xffff  }
0x227: {  	v21 =	vadd.s32 s30, v4;
	[tilespmem:s16+$0xD0] =	vst v14;
	v14 =	vld.idx.msk [tilespmem:v16+s26+$0x0], $0xffff  }
0x228: {  	[tilespmem:s16+$0xE0] =	vst v15;
	v16 =	vadd.s32 s30, v5;
	v15 =	vld.idx.msk [tilespmem:v17+s26+$0x0], $0xffff  }
0x229: {  	v17 =	vadd.s32 s30, v6;
	[tilespmem:s16+$0xFFFFFF80] =	vst v9;
	v22 =	vld.idx.msk [tilespmem:v18+s26+$0x0], $0xffff  }
0x22a: {  	[tilespmem:s16+$0xFFFFFF90] =	vst v8;
	v23 =	vld.idx.msk [tilespmem:v19+s26+$0x0], $0xffff;
	v8 =	vadd.s32 s30, v3  }
0x22b: {  	v9 =	vadd.s32 s30, v7;
	[tilespmem:s16+$0xFFFFFFA0] =	vst v10;
	v10 =	vld.idx.msk [tilespmem:v20+s26+$0x0], $0xffff  }
0x22c: {  	v24 =	vadd.s32 s18, v1;
	[tilespmem:s16+$0xFFFFFFB0] =	vst v11;
	v21 =	vld.idx.msk [tilespmem:v21+s26+$0x0], $0xffff  }
0x22d: {  	v11 =	vadd.s32 s18, v0;
	[tilespmem:s16+$0xFFFFFFC0] =	vst v12;
	v20 =	vld.idx.msk [tilespmem:v16+s26+$0x0], $0xffff  }
0x22e: {  	v25 =	vadd.s32 s18, v2;
	[tilespmem:s16+$0xFFFFFFD0] =	vst v13;
	v19 =	vld.idx.msk [tilespmem:v17+s26+$0x0], $0xffff  }
0x22f: {  	[tilespmem:s16+$0xFFFFFFE0] =	vst v14;
	v16 =	vld.idx.msk [tilespmem:v8+s26+$0x0], $0xffff;
	v8 =	vadd.s32 s18, v4  }
0x230: {  	v18 =	vld.idx.msk [tilespmem:v9+s26+$0x0], $0xffff;
	[tilespmem:s16+$0xFFFFFFF0] =	vst v15;
	v14 =	vadd.s32 s18, v5  }
0x231: {  	v13 =	vadd.s32 s18, v6;
	v9 =	vld.idx.msk [tilespmem:v24+s26+$0x0], $0xffff;
	[tilespmem:s16+$0x0] =	vst v22  }
0x232: {  	v12 =	vadd.s32 s18, v7;
	v17 =	vld.idx.msk [tilespmem:v11+s26+$0x0], $0xffff;
	[tilespmem:s16+$0x10] =	vst v23  }
0x233: {  	s17 =	simm.s32 $0x0;
	v11 =	vadd.s32 s18, v3;
	v15 =	vld.idx.msk [tilespmem:v25+s26+$0x0], $0xffff;
	[tilespmem:s16+$0x20] =	vst v10;
	s18 =	simm.s32 $0x200  }
.LBB2_14:
0x234: {  	v22 =	vadd.s32 s18, v1;
	v10 =	vadd.s32 s18, v2;
	s19 =	sadd.s32 $0x80, s18;
	s20 =	sadd.s32 $0x100, s18;
	s30 =	sadd.s32 $0x180, s18;
	v23 =	vld.idx.msk [tilespmem:v8+s26+$0x0], $0xffff;
	v8 =	vadd.s32 s18, v4;
	[tilespmem:s16+$0x30] =	vst v21  }
0x235: {  	s17 =	sadd.s32 $0x4, s17;
	v21 =	vadd.s32 s19, v0;
	v24 =	vadd.s32 s19, v1;
	v25 =	vadd.s32 s30, v0;
	v26 =	vld.idx.msk [tilespmem:v14+s26+$0x0], $0xffff;
	[tilespmem:s16+$0x40] =	vst v20  }
0x236: {  	v20 =	vadd.s32 s19, v2;
	v27 =	vadd.s32 s19, v4;
	v14 =	vadd.s32 s30, v3;
	p0 =	slt.u32 s17, $0x3C;
	v28 =	vld.idx.msk [tilespmem:v13+s26+$0x0], $0xffff;
	[tilespmem:s16+$0x50] =	vst v19  }
0x237: {  	v29 =	vadd.s32 s19, v6;
	v19 =	vadd.s32 s19, v5;
	v13 =	vadd.s32 s30, v1;
	v30 =	vld.idx.msk [tilespmem:v12+s26+$0x0], $0xffff;
	[tilespmem:s16+$0x60] =	vst v18  }
0x238: {  	v31 =	vadd.s32 s19, v3;
	v32 =	vadd.s32 s30, v2;
	v18 =	vadd.s32 s19, v7;
	v33 =	vld.idx.msk [tilespmem:v11+s26+$0x0], $0xffff;
	[tilespmem:s16+$0x70] =	vst v16  }
0x239: {  	v34 =	vadd.s32 s20, v1;
	v35 =	vadd.s32 s30, v4;
	v16 =	vld.idx.msk [tilespmem:v22+s26+$0x0], $0xffff;
	v22 =	vadd.s32 s20, v0;
	[tilespmem:s16+$0xFFFFFF00] =	vst v17  }
0x23a: {  	v36 =	vadd.s32 s20, v4;
	v37 =	vadd.s32 s30, v5;
	v17 =	vadd.s32 s20, v2;
	v25 =	vld.idx.msk [tilespmem:v25+s26+$0x0], $0xffff;
	[tilespmem:s16+$0xFFFFFF10] =	vst v9  }
0x23b: {  	v38 =	vadd.s32 s20, v5;
	v39 =	vadd.s32 s20, v6;
	v40 =	vadd.s32 s30, v6;
	v41 =	vld.idx.msk [tilespmem:v14+s26+$0x0], $0xffff;
	[tilespmem:s16+$0xFFFFFF20] =	vst v15  }
0x23c: {  	v42 =	vadd.s32 s20, v3;
	v44 =	vadd.s32 s30, v7;
	v15 =	vadd.s32 s20, v7;
	v43 =	vld.idx.msk [tilespmem:v13+s26+$0x0], $0xffff;
	[tilespmem:s16+$0xFFFFFF30] =	vst v23  }
0x23d: {  	v12 =	vadd.s32 s18, v7;
	v14 =	vadd.s32 s18, v5;
	v13 =	vadd.s32 s18, v6;
	v23 =	vld.idx.msk [tilespmem:v32+s26+$0x0], $0xffff;
	[tilespmem:s16+$0xFFFFFF40] =	vst v26  }
0x23e: {  	v11 =	vadd.s32 s18, v3;
	v26 =	vadd.s32 s18, v0;
	v32 =	vld.idx.msk [tilespmem:v35+s26+$0x0], $0xffff;
	[tilespmem:s16+$0xFFFFFF50] =	vst v28  }
0x23f: {  	v9 =	vmov v16;
	v28 =	vld.idx.msk [tilespmem:v37+s26+$0x0], $0xffff;
	[tilespmem:s16+$0xFFFFFF60] =	vst v30  }
0x240: {  	v16 =	vld.idx.msk [tilespmem:v40+s26+$0x0], $0xffff;
	[tilespmem:s16+$0xFFFFFF70] =	vst v33;
	s16 =	sadd.s32 $0x200, s16  }
0x241: {  	v30 =	vld.idx.msk [tilespmem:v44+s26+$0x0], $0xffff;
	[tilespmem:s16+$0xF0] =	vst v41  }
0x242: {  	v21 =	vld.idx.msk [tilespmem:v21+s26+$0x0], $0xffff;
	[tilespmem:s16+$0x80] =	vst v25  }
0x243: {  	v24 =	vld.idx.msk [tilespmem:v24+s26+$0x0], $0xffff;
	[tilespmem:s16+$0x90] =	vst v43  }
0x244: {  	v20 =	vld.idx.msk [tilespmem:v20+s26+$0x0], $0xffff;
	[tilespmem:s16+$0xA0] =	vst v23  }
0x245: {  	v23 =	vld.idx.msk [tilespmem:v27+s26+$0x0], $0xffff;
	[tilespmem:s16+$0xB0] =	vst v32  }
0x246: {  	v19 =	vld.idx.msk [tilespmem:v19+s26+$0x0], $0xffff;
	[tilespmem:s16+$0xC0] =	vst v28  }
0x247: {  	v25 =	vld.idx.msk [tilespmem:v29+s26+$0x0], $0xffff;
	[tilespmem:s16+$0xD0] =	vst v16  }
0x248: {  	v16 =	vld.idx.msk [tilespmem:v18+s26+$0x0], $0xffff;
	[tilespmem:s16+$0xE0] =	vst v30  }
0x249: {  	v18 =	vld.idx.msk [tilespmem:v31+s26+$0x0], $0xffff;
	[tilespmem:s16+$0xFFFFFF80] =	vst v21  }
0x24a: {  	[tilespmem:s16+$0xFFFFFF90] =	vst v24;
	v22 =	vld.idx.msk [tilespmem:v22+s26+$0x0], $0xffff  }
0x24b: {  	[tilespmem:s16+$0xFFFFFFA0] =	vst v20;
	v24 =	vld.idx.msk [tilespmem:v34+s26+$0x0], $0xffff  }
0x24c: {  	[tilespmem:s16+$0xFFFFFFB0] =	vst v23;
	v23 =	vld.idx.msk [tilespmem:v17+s26+$0x0], $0xffff  }
0x24d: {  	[tilespmem:s16+$0xFFFFFFC0] =	vst v19;
	v21 =	vld.idx.msk [tilespmem:v36+s26+$0x0], $0xffff  }
0x24e: {  	[tilespmem:s16+$0xFFFFFFD0] =	vst v25;
	v20 =	vld.idx.msk [tilespmem:v38+s26+$0x0], $0xffff  }
.Ltmp6:
0x24f: {  	[tilespmem:s16+$0xFFFFFFE0] =	vst v16;
	v19 =	vld.idx.msk [tilespmem:v39+s26+$0x0], $0xffff;
	(pc) =	sbr.rel @p0 .LBB2_14-.Ltmp6, $4  }
0x250: {  	[tilespmem:s16+$0xFFFFFFF0] =	vst v18;
	v18 =	vld.idx.msk [tilespmem:v15+s26+$0x0], $0xffff  }
0x251: {  	v16 =	vld.idx.msk [tilespmem:v42+s26+$0x0], $0xffff;
	[tilespmem:s16+$0x0] =	vst v22  }
0x252: {  	v17 =	vld.idx.msk [tilespmem:v26+s26+$0x0], $0xffff;
	[tilespmem:s16+$0x10] =	vst v24  }
0x253: {  	s18 =	sadd.s32 $0x200, s18;
	v15 =	vld.idx.msk [tilespmem:v10+s26+$0x0], $0xffff;
	[tilespmem:s16+$0x20] =	vst v23  }
0x254: {  	_ =	sdelay $0x3  }
0x255: {  	v8 =	vld.idx.msk [tilespmem:v8+s26+$0x0], $0xffff  }
0x256: {  	[tilespmem:s16+$0x30] =	vst v21;
	v10 =	vld.idx.msk [tilespmem:v14+s26+$0x0], $0xffff  }
0x257: {  	[tilespmem:s16+$0x40] =	vst v20;
	v13 =	vld.idx.msk [tilespmem:v13+s26+$0x0], $0xffff  }
0x258: {  	[tilespmem:s16+$0x50] =	vst v19;
	v12 =	vld.idx.msk [tilespmem:v12+s26+$0x0], $0xffff  }
0x259: {  	v11 =	vld.idx.msk [tilespmem:v11+s26+$0x0], $0xffff;
	[tilespmem:s16+$0xFFFFFF10] =	vst v9  }
0x25a: {  	[tilespmem:s16+$0x60] =	vst v18  }
0x25b: {  	[tilespmem:s16+$0x70] =	vst v16  }
0x25c: {  	[tilespmem:s16+$0xFFFFFF00] =	vst v17  }
0x25d: {  	[tilespmem:s16+$0xFFFFFF20] =	vst v15  }
0x25e: {  	[tilespmem:s16+$0xFFFFFF30] =	vst v8  }
0x25f: {  	[tilespmem:s16+$0xFFFFFF40] =	vst v10  }
0x260: {  	[tilespmem:s16+$0xFFFFFF50] =	vst v13  }
0x261: {  	[tilespmem:s16+$0xFFFFFF60] =	vst v12  }
0x262: {  	s17 =	simm.s32 $0x180;
	[tilespmem:s16+$0xFFFFFF70] =	vst v11  }
0x263: {  	s18 =	simm.s32 $0x0;
	v8 =	vadd.s32 s17, v0;
	s16 =	rddreg [dreg:$0x12]  }
0x264: {  	v9 =	vadd.s32 s17, v3;
	[hbm4b:s16+s18] =	stream.linear.scatter [tilespmem:s26], [sflag:$0xF], $0x2000, $0x38;
	[tilespmem:$0x10080] =	vst v63  }
0x265: {  	v10 =	vadd.s32 s17, v1;
	_ =	swait.ge [sflag:s6], $0x2000  }
0x266: {  	v11 =	vadd.s32 s17, v2;
	[sflag:s6] =	ssyncset.done $0x0  }
0x267: {  	v12 =	vadd.s32 s17, v4;
	[sflag:s6] =	ssyncadd.s32 $0xFFFFE000  }
0x268: {  	v13 =	vadd.s32 s17, v5;
	v8 =	vld.idx.msk [tilespmem:v8+s28+$0x0], $0xffff  }
0x269: {  	v14 =	vadd.s32 s17, v6;
	v9 =	vld.idx.msk [tilespmem:v9+s28+$0x0], $0xffff  }
0x26a: {  	s19 =	simm.s32 $0x80;
	v15 =	vadd.s32 s17, v7;
	v10 =	vld.idx.msk [tilespmem:v10+s28+$0x0], $0xffff  }
0x26b: {  	v16 =	vadd.s32 s19, v0;
	v11 =	vld.idx.msk [tilespmem:v11+s28+$0x0], $0xffff  }
0x26c: {  	v17 =	vadd.s32 s19, v1;
	v12 =	vld.idx.msk [tilespmem:v12+s28+$0x0], $0xffff  }
0x26d: {  	v18 =	vadd.s32 s19, v2;
	v13 =	vld.idx.msk [tilespmem:v13+s28+$0x0], $0xffff  }
0x26e: {  	v19 =	vadd.s32 s19, v4;
	v14 =	vld.idx.msk [tilespmem:v14+s28+$0x0], $0xffff  }
0x26f: {  	v20 =	vadd.s32 s19, v5;
	s16 =	simm.s32 $0xE100;
	v15 =	vld.idx.msk [tilespmem:v15+s28+$0x0], $0xffff  }
0x270: {  	v21 =	vadd.s32 s19, v6;
	[tilespmem:s16+$0xF0] =	vst v9;
	v9 =	vld.idx.msk [tilespmem:v16+s28+$0x0], $0xffff  }
0x271: {  	v16 =	vadd.s32 s19, v7;
	[tilespmem:s16+$0x80] =	vst v8;
	v8 =	vld.idx.msk [tilespmem:v17+s28+$0x0], $0xffff  }
0x272: {  	s30 =	simm.s32 $0x100;
	v17 =	vadd.s32 s19, v3;
	[tilespmem:s16+$0x90] =	vst v10;
	v10 =	vld.idx.msk [tilespmem:v18+s28+$0x0], $0xffff  }
0x273: {  	v18 =	vadd.s32 s30, v0;
	[tilespmem:s16+$0xA0] =	vst v11;
	v11 =	vld.idx.msk [tilespmem:v19+s28+$0x0], $0xffff  }
0x274: {  	v19 =	vadd.s32 s30, v1;
	[tilespmem:s16+$0xB0] =	vst v12;
	v12 =	vld.idx.msk [tilespmem:v20+s28+$0x0], $0xffff  }
0x275: {  	v20 =	vadd.s32 s30, v2;
	[tilespmem:s16+$0xC0] =	vst v13;
	v13 =	vld.idx.msk [tilespmem:v21+s28+$0x0], $0xffff  }
0x276: {  	v21 =	vadd.s32 s30, v4;
	[tilespmem:s16+$0xD0] =	vst v14;
	v14 =	vld.idx.msk [tilespmem:v16+s28+$0x0], $0xffff  }
0x277: {  	[tilespmem:s16+$0xE0] =	vst v15;
	v16 =	vadd.s32 s30, v5;
	v15 =	vld.idx.msk [tilespmem:v17+s28+$0x0], $0xffff  }
0x278: {  	v17 =	vadd.s32 s30, v6;
	[tilespmem:s16+$0xFFFFFF80] =	vst v9;
	v22 =	vld.idx.msk [tilespmem:v18+s28+$0x0], $0xffff  }
0x279: {  	[tilespmem:s16+$0xFFFFFF90] =	vst v8;
	v23 =	vld.idx.msk [tilespmem:v19+s28+$0x0], $0xffff;
	v8 =	vadd.s32 s30, v3  }
0x27a: {  	v9 =	vadd.s32 s30, v7;
	[tilespmem:s16+$0xFFFFFFA0] =	vst v10;
	v10 =	vld.idx.msk [tilespmem:v20+s28+$0x0], $0xffff  }
0x27b: {  	v24 =	vadd.s32 s18, v1;
	[tilespmem:s16+$0xFFFFFFB0] =	vst v11;
	v21 =	vld.idx.msk [tilespmem:v21+s28+$0x0], $0xffff  }
0x27c: {  	v11 =	vadd.s32 s18, v0;
	[tilespmem:s16+$0xFFFFFFC0] =	vst v12;
	v20 =	vld.idx.msk [tilespmem:v16+s28+$0x0], $0xffff  }
0x27d: {  	v25 =	vadd.s32 s18, v2;
	[tilespmem:s16+$0xFFFFFFD0] =	vst v13;
	v19 =	vld.idx.msk [tilespmem:v17+s28+$0x0], $0xffff  }
0x27e: {  	[tilespmem:s16+$0xFFFFFFE0] =	vst v14;
	v16 =	vld.idx.msk [tilespmem:v8+s28+$0x0], $0xffff;
	v8 =	vadd.s32 s18, v4  }
0x27f: {  	v18 =	vld.idx.msk [tilespmem:v9+s28+$0x0], $0xffff;
	[tilespmem:s16+$0xFFFFFFF0] =	vst v15;
	v14 =	vadd.s32 s18, v5  }
0x280: {  	v13 =	vadd.s32 s18, v6;
	v9 =	vld.idx.msk [tilespmem:v24+s28+$0x0], $0xffff;
	[tilespmem:s16+$0x0] =	vst v22  }
0x281: {  	v12 =	vadd.s32 s18, v7;
	v17 =	vld.idx.msk [tilespmem:v11+s28+$0x0], $0xffff;
	[tilespmem:s16+$0x10] =	vst v23  }
0x282: {  	s17 =	simm.s32 $0x0;
	v11 =	vadd.s32 s18, v3;
	v15 =	vld.idx.msk [tilespmem:v25+s28+$0x0], $0xffff;
	[tilespmem:s16+$0x20] =	vst v10;
	s18 =	simm.s32 $0x200  }
.LBB2_16:
0x283: {  	v22 =	vadd.s32 s18, v1;
	v10 =	vadd.s32 s18, v2;
	s19 =	sadd.s32 $0x80, s18;
	s20 =	sadd.s32 $0x100, s18;
	s30 =	sadd.s32 $0x180, s18;
	v23 =	vld.idx.msk [tilespmem:v8+s28+$0x0], $0xffff;
	v8 =	vadd.s32 s18, v4;
	[tilespmem:s16+$0x30] =	vst v21  }
0x284: {  	s17 =	sadd.s32 $0x4, s17;
	v21 =	vadd.s32 s19, v0;
	v24 =	vadd.s32 s19, v1;
	v25 =	vadd.s32 s30, v0;
	v26 =	vld.idx.msk [tilespmem:v14+s28+$0x0], $0xffff;
	[tilespmem:s16+$0x40] =	vst v20  }
0x285: {  	v20 =	vadd.s32 s19, v2;
	v27 =	vadd.s32 s19, v4;
	v14 =	vadd.s32 s30, v3;
	p0 =	slt.u32 s17, $0x3C;
	v28 =	vld.idx.msk [tilespmem:v13+s28+$0x0], $0xffff;
	[tilespmem:s16+$0x50] =	vst v19  }
0x286: {  	v29 =	vadd.s32 s19, v6;
	v19 =	vadd.s32 s19, v5;
	v13 =	vadd.s32 s30, v1;
	v30 =	vld.idx.msk [tilespmem:v12+s28+$0x0], $0xffff;
	[tilespmem:s16+$0x60] =	vst v18  }
0x287: {  	v31 =	vadd.s32 s19, v3;
	v32 =	vadd.s32 s30, v2;
	v18 =	vadd.s32 s19, v7;
	v33 =	vld.idx.msk [tilespmem:v11+s28+$0x0], $0xffff;
	[tilespmem:s16+$0x70] =	vst v16  }
0x288: {  	v34 =	vadd.s32 s20, v1;
	v35 =	vadd.s32 s30, v4;
	v16 =	vld.idx.msk [tilespmem:v22+s28+$0x0], $0xffff;
	v22 =	vadd.s32 s20, v0;
	[tilespmem:s16+$0xFFFFFF00] =	vst v17  }
0x289: {  	v36 =	vadd.s32 s20, v4;
	v37 =	vadd.s32 s30, v5;
	v17 =	vadd.s32 s20, v2;
	v25 =	vld.idx.msk [tilespmem:v25+s28+$0x0], $0xffff;
	[tilespmem:s16+$0xFFFFFF10] =	vst v9  }
0x28a: {  	v38 =	vadd.s32 s20, v5;
	v39 =	vadd.s32 s20, v6;
	v40 =	vadd.s32 s30, v6;
	v41 =	vld.idx.msk [tilespmem:v14+s28+$0x0], $0xffff;
	[tilespmem:s16+$0xFFFFFF20] =	vst v15  }
0x28b: {  	v42 =	vadd.s32 s20, v3;
	v44 =	vadd.s32 s30, v7;
	v15 =	vadd.s32 s20, v7;
	v43 =	vld.idx.msk [tilespmem:v13+s28+$0x0], $0xffff;
	[tilespmem:s16+$0xFFFFFF30] =	vst v23  }
0x28c: {  	v12 =	vadd.s32 s18, v7;
	v14 =	vadd.s32 s18, v5;
	v13 =	vadd.s32 s18, v6;
	v23 =	vld.idx.msk [tilespmem:v32+s28+$0x0], $0xffff;
	[tilespmem:s16+$0xFFFFFF40] =	vst v26  }
0x28d: {  	v11 =	vadd.s32 s18, v3;
	v26 =	vadd.s32 s18, v0;
	v32 =	vld.idx.msk [tilespmem:v35+s28+$0x0], $0xffff;
	[tilespmem:s16+$0xFFFFFF50] =	vst v28  }
0x28e: {  	v9 =	vmov v16;
	v28 =	vld.idx.msk [tilespmem:v37+s28+$0x0], $0xffff;
	[tilespmem:s16+$0xFFFFFF60] =	vst v30  }
0x28f: {  	v16 =	vld.idx.msk [tilespmem:v40+s28+$0x0], $0xffff;
	[tilespmem:s16+$0xFFFFFF70] =	vst v33;
	s16 =	sadd.s32 $0x200, s16  }
0x290: {  	v30 =	vld.idx.msk [tilespmem:v44+s28+$0x0], $0xffff;
	[tilespmem:s16+$0xF0] =	vst v41  }
0x291: {  	v21 =	vld.idx.msk [tilespmem:v21+s28+$0x0], $0xffff;
	[tilespmem:s16+$0x80] =	vst v25  }
0x292: {  	v24 =	vld.idx.msk [tilespmem:v24+s28+$0x0], $0xffff;
	[tilespmem:s16+$0x90] =	vst v43  }
0x293: {  	v20 =	vld.idx.msk [tilespmem:v20+s28+$0x0], $0xffff;
	[tilespmem:s16+$0xA0] =	vst v23  }
0x294: {  	v23 =	vld.idx.msk [tilespmem:v27+s28+$0x0], $0xffff;
	[tilespmem:s16+$0xB0] =	vst v32  }
0x295: {  	v19 =	vld.idx.msk [tilespmem:v19+s28+$0x0], $0xffff;
	[tilespmem:s16+$0xC0] =	vst v28  }
0x296: {  	v25 =	vld.idx.msk [tilespmem:v29+s28+$0x0], $0xffff;
	[tilespmem:s16+$0xD0] =	vst v16  }
0x297: {  	v16 =	vld.idx.msk [tilespmem:v18+s28+$0x0], $0xffff;
	[tilespmem:s16+$0xE0] =	vst v30  }
0x298: {  	v18 =	vld.idx.msk [tilespmem:v31+s28+$0x0], $0xffff;
	[tilespmem:s16+$0xFFFFFF80] =	vst v21  }
0x299: {  	[tilespmem:s16+$0xFFFFFF90] =	vst v24;
	v22 =	vld.idx.msk [tilespmem:v22+s28+$0x0], $0xffff  }
0x29a: {  	[tilespmem:s16+$0xFFFFFFA0] =	vst v20;
	v24 =	vld.idx.msk [tilespmem:v34+s28+$0x0], $0xffff  }
0x29b: {  	[tilespmem:s16+$0xFFFFFFB0] =	vst v23;
	v23 =	vld.idx.msk [tilespmem:v17+s28+$0x0], $0xffff  }
0x29c: {  	[tilespmem:s16+$0xFFFFFFC0] =	vst v19;
	v21 =	vld.idx.msk [tilespmem:v36+s28+$0x0], $0xffff  }
0x29d: {  	[tilespmem:s16+$0xFFFFFFD0] =	vst v25;
	v20 =	vld.idx.msk [tilespmem:v38+s28+$0x0], $0xffff  }
.Ltmp7:
0x29e: {  	[tilespmem:s16+$0xFFFFFFE0] =	vst v16;
	v19 =	vld.idx.msk [tilespmem:v39+s28+$0x0], $0xffff;
	(pc) =	sbr.rel @p0 .LBB2_16-.Ltmp7, $4  }
0x29f: {  	[tilespmem:s16+$0xFFFFFFF0] =	vst v18;
	v18 =	vld.idx.msk [tilespmem:v15+s28+$0x0], $0xffff  }
0x2a0: {  	v16 =	vld.idx.msk [tilespmem:v42+s28+$0x0], $0xffff;
	[tilespmem:s16+$0x0] =	vst v22  }
0x2a1: {  	v17 =	vld.idx.msk [tilespmem:v26+s28+$0x0], $0xffff;
	[tilespmem:s16+$0x10] =	vst v24  }
0x2a2: {  	s18 =	sadd.s32 $0x200, s18;
	v15 =	vld.idx.msk [tilespmem:v10+s28+$0x0], $0xffff;
	[tilespmem:s16+$0x20] =	vst v23  }
0x2a3: {  	_ =	sdelay $0x3  }
0x2a4: {  	v0 =	vld.idx.msk [tilespmem:v8+s28+$0x0], $0xffff  }
0x2a5: {  	[tilespmem:s16+$0x30] =	vst v21;
	v1 =	vld.idx.msk [tilespmem:v14+s28+$0x0], $0xffff  }
0x2a6: {  	[tilespmem:s16+$0x40] =	vst v20;
	v2 =	vld.idx.msk [tilespmem:v13+s28+$0x0], $0xffff  }
0x2a7: {  	[tilespmem:s16+$0x50] =	vst v19;
	v3 =	vld.idx.msk [tilespmem:v12+s28+$0x0], $0xffff  }
0x2a8: {  	v4 =	vld.idx.msk [tilespmem:v11+s28+$0x0], $0xffff;
	[tilespmem:s16+$0xFFFFFF10] =	vst v9  }
0x2a9: {  	[tilespmem:s16+$0x60] =	vst v18  }
0x2aa: {  	[tilespmem:s16+$0x70] =	vst v16  }
0x2ab: {  	[tilespmem:s16+$0xFFFFFF00] =	vst v17  }
0x2ac: {  	[tilespmem:s16+$0xFFFFFF20] =	vst v15  }
0x2ad: {  	[tilespmem:s16+$0xFFFFFF30] =	vst v0  }
0x2ae: {  	[tilespmem:s16+$0xFFFFFF40] =	vst v1  }
0x2af: {  	[tilespmem:s16+$0xFFFFFF50] =	vst v2  }
0x2b0: {  	[tilespmem:s16+$0xFFFFFF60] =	vst v3  }
0x2b1: {  	[tilespmem:s16+$0xFFFFFF70] =	vst v4  }
0x2b2: {  	s16 =	rddreg [dreg:$0x13]  }
0x2b3: {  	[hbm4b:s16+s3] =	stream.linear.scatter [tilespmem:s28], [sflag:$0x10], $0x2000, $0x38;
	[tilespmem:$0x10080] =	vst v63  }
0x2b4: {  	_ =	swait.ge [sflag:s7], $0x2000  }
0x2b5: {  	[sflag:s7] =	ssyncset.done $0x0  }
0x2b6: {  	[sflag:s7] =	ssyncadd.s32 $0xFFFFE000  }
0x2b7: {  	_ =	swait.ge [sflag:s8], $0x2000  }
0x2b8: {  	[sflag:s8] =	ssyncset.done $0x0  }
0x2b9: {  	[sflag:s8] =	ssyncadd.s32 $0xFFFFE000  }
0x2ba: {  	_ =	swait.ge [sflag:s9], $0x2000  }
0x2bb: {  	[sflag:s9] =	ssyncset.done $0x0  }
0x2bc: {  	[sflag:s9] =	ssyncadd.s32 $0xFFFFE000  }
0x2bd: {  	_ =	swait.ge [sflag:s10], $0x2000  }
0x2be: {  	[sflag:s10] =	ssyncset.done $0x0  }
0x2bf: {  	[sflag:s10] =	ssyncadd.s32 $0xFFFFE000  }
0x2c0: {  	_ =	swait.ge [sflag:s11], $0x2000  }
0x2c1: {  	[sflag:s11] =	ssyncset.done $0x0  }
0x2c2: {  	[sflag:s11] =	ssyncadd.s32 $0xFFFFE000  }
0x2c3: {  	_ =	swait.ge [sflag:s12], $0x2000  }
0x2c4: {  	[sflag:s12] =	ssyncset.done $0x0  }
0x2c5: {  	[sflag:s12] =	ssyncadd.s32 $0xFFFFE000  }
0x2c6: {  	_ =	swait.ge [sflag:s13], $0x2000  }
0x2c7: {  	[sflag:s13] =	ssyncset.done $0x0  }
0x2c8: {  	[sflag:s13] =	ssyncadd.s32 $0xFFFFE000  }
0x2c9: {  	_ =	swait.ge [sflag:s14], $0x2000  }
0x2ca: {  	s15 =	sadd.s32 $0x1, s15;
	s30 =	rddreg [dreg:$0x14]  }
0x2cb: {  	p0 =	sne.s32 s15, s30  }
.Ltmp8:
0x2cc: {  	_ = 	snop;
	(pc) =	sbr.rel @p0 .LBB2_1-.Ltmp8, $3  }
0x2cd: {  	_ =	sdelay $0x1  }
0x2ce: {  	[sflag:s14] =	ssyncset.done $0x0  }
0x2cf: {  	[sflag:s14] =	ssyncadd.s32 $0xFFFFE000  }
0x2d0: {  	_ =	sfence.sel $0x180000  }
0x2d1: {  	[bflag:$0x0] =	sbarrier.arrive $0xFFFF  }
0x2d2: {  	_ =	strace $0x90000047  }
0x2d3: {  	s0 =	stileid.u32;
	[bflag:$0x2] =	sbarrier.arrive $0xFFFF  }
0x2d4: {  	p0 =	sne.s32 s0, $0x0;
	s0 =	rddreg [dreg:$0x3]  }
0x2d5: {  	s0 =	sadd.s32 @!p0 $0x100000, s0  }
0x2d6: {  	[sflag:s0] =	ssyncadd.tile.s32 @!p0 $0x1;
	_ =	shalt  }
.Lfunc_end2:
_tile_overlayer_lowered:
.L_overlay_start_2:
0x2d7: {  	(tag) =	ssettag $0x2  }
0x2d8: {  	s0 =	rddreg [dreg:$0x0];
	s2 =	stileid.u32  }
0x2d9: {  	s1 =	rddreg [dreg:$0x1];
	p0 =	sne.s32 s2, $0x0  }
0x2da: {  	s3 =	rddreg [dreg:$0x2];
	[bflag:$0x3] =	sbarrier.arrive $0xFFFF;
	s2 =	simm.s32 @!p0 $0x1C12  }
0x2db: {  	[timem:s3], [sflag:s2] =	dma.local @!p0 [hbm:s0], s1  }
0x2dc: {  	s0 =	simm.s32 @!p0 $0x12  }
0x2dd: {  	_ =	swait.ge @!p0 [sflag:s0], s1  }
0x2de: {  	s1 =	ssub.s32 @!p0 $0x0, s1;
	[sflag:s0] =	ssyncset.done @!p0 $0x0  }
0x2df: {  	[sflag:s0] =	ssyncadd.s32 @!p0 s1  }
0x2e0: {  	[bflag:$0x3] =	sbarrier.arrive $0xFFFF  }
0x2e1: {  	_ =	shalt  }

</sc_bundles>
